<compile_context>
chip_gen: v7x
topology: tpu7x:2x2x1
jax: 0.10.2.dev20260603
libtpu: 0.0.44.dev20260713+nightly
codegen_flags: <defaults>
</compile_context>

<pallas_src>
import jax
import jax.numpy as jnp
from jax import lax
from jax.experimental import pallas as pl
from jax.experimental.pallas import tpu as pltpu
from jax.experimental.pallas import tpu_sc as plsc

BATCH = 4096
SEQ = 200
EMBED_DIM = 64

_INFO = plsc.get_sparse_core_info()
NC = _INFO.num_cores
NS = _INFO.num_subcores
NW = NC * NS
ROWS_PER_W = BATCH // NW
CHUNK = 100
CHUNKS_PER_ROW = SEQ // CHUNK
CHUNKS_PER_W = ROWS_PER_W * CHUNKS_PER_ROW
LANES = 16
VECS = EMBED_DIM // LANES
RING_ROWS = 4
NBUF = RING_ROWS * CHUNKS_PER_ROW


def _encoder_body(ids_hbm, table_hbm, out_hbm, idx_v, rows_v, out_v, sems):
    wid = lax.axis_index("s") * NC + lax.axis_index("c")

    pltpu.sync_copy(ids_hbm.at[wid], idx_v)

    inv_seq = jnp.float32(1.0 / SEQ)

    def start_row(b, bufs):
        for h in range(CHUNKS_PER_ROW):
            pltpu.async_copy(
                table_hbm.at[idx_v.at[b * CHUNKS_PER_ROW + h]],
                rows_v.at[bufs[h]],
                sems.at[bufs[h]],
            )

    for r in range(RING_ROWS):
        start_row(r, (2 * r, 2 * r + 1))

    def outer_body(o, _):
        base = o * RING_ROWS
        for bb in range(RING_ROWS):
            b = base + bb
            bufs = (2 * bb, 2 * bb + 1)
            acc = tuple(jnp.zeros((LANES,), jnp.float32) for _ in range(VECS))
            for h in range(CHUNKS_PER_ROW):
                buf = bufs[h]
                pltpu.make_async_copy(
                    table_hbm.at[idx_v.at[0]], rows_v.at[buf], sems.at[buf]
                ).wait()

                def acc_body(r, carry, buf=buf):
                    return tuple(
                        carry[k] + rows_v[buf, r, pl.ds(k * LANES, LANES)]
                        for k in range(VECS)
                    )

                acc = lax.fori_loop(0, CHUNK, acc_body, acc, unroll=2)
            for k in range(VECS):
                out_v[b, pl.ds(k * LANES, LANES)] = acc[k] * inv_seq

            @pl.when(b + RING_ROWS < ROWS_PER_W)
            def _():
                start_row(b + RING_ROWS, bufs)

        return 0

    lax.fori_loop(0, ROWS_PER_W // RING_ROWS, outer_body, 0)

    pltpu.sync_copy(out_v, out_hbm.at[pl.ds(wid * ROWS_PER_W, ROWS_PER_W)])


_encoder = pl.kernel(
    _encoder_body,
    out_type=jax.ShapeDtypeStruct((BATCH, EMBED_DIM), jnp.float32),
    mesh=plsc.VectorSubcoreMesh(core_axis_name="c", subcore_axis_name="s"),
    scratch_types=[
        pltpu.VMEM((CHUNKS_PER_W, CHUNK), jnp.int32),
        pltpu.VMEM((NBUF, CHUNK, EMBED_DIM), jnp.float32),
        pltpu.VMEM((ROWS_PER_W, EMBED_DIM), jnp.float32),
        pltpu.SemaphoreType.DMA((NBUF,)),
    ],
    compiler_params=pltpu.CompilerParams(use_tc_tiling_on_sc=False),
)


@jax.jit
def kernel(text_ids, table):
    ids = text_ids.astype(jnp.int32).reshape(NW, CHUNKS_PER_W, CHUNK)
    return _encoder(ids, table)

# --- scband reference (transcript-rebuilt; emitter-appended) ---
"""Pipeline reference for scband-text-encoder-8452495639135 (READ-ONLY COPY).

The authoritative reference and input builder live on the scoring server;
editing this copy changes nothing except your own understanding.
"""

import jax, jax.numpy as jnp
import numpy as np

VOCAB = 1000000
EMBED_DIM = 64
BATCH = 4096
SEQ = 200


def setup_inputs(seed: int = 0) -> dict:
    key = jax.random.key(seed)
    k_idx, k_emb = jax.random.split(key)
    text_ids = jax.random.randint(k_idx, (BATCH, SEQ), 0, VOCAB, dtype=jnp.int64 if jax.config.read('jax_enable_x64') else jnp.int32)
    table = jax.random.normal(k_emb, (VOCAB, EMBED_DIM), dtype=jnp.float32)
    # padding_idx=0: row 0 is zero-initialized in nn.Embedding
    table = table.at[0].set(0.0)
    return {"text_ids": text_ids, "table": table}


def reference(text_ids, table):
    # nn.Embedding lookup
    emb = jnp.take(table, text_ids, axis=0)  # [B, L, D]
    # AdaptiveAvgPool1d(1) over the sequence dimension after transpose(1,2)
    # emb.transpose(1,2) -> [B, D, L]; pool to [B, D, 1]; squeeze -> [B, D]
    pooled = jnp.mean(emb, axis=1)  # [B, D]
    return pooled

if __name__ == "__main__":
    import jax
    _d = setup_inputs()
    print(jax.jit(kernel)(*tuple(_d.values())))

</pallas_src>

<mosaic_0001>
#map = affine_map<(d0, d1) -> (0, 0, 0)>
#map1 = affine_map<(d0, d1) -> (0, 0)>
module attributes {stable_mosaic.version = 14 : i64} {
  func.func @_encoder_body(%arg0: i32, %arg1: i32, %arg2: memref<32x256x100xi32, #tpu.memory_space<hbm>>, %arg3: memref<1000000x64xf32, #tpu.memory_space<hbm>>, %arg4: memref<4096x64xf32, #tpu.memory_space<hbm>>, %arg5: memref<256x100xi32, #tpu.memory_space<vmem>>, %arg6: memref<8x100x64xf32, #tpu.memory_space<vmem>>, %arg7: memref<128x64xf32, #tpu.memory_space<vmem>>, %arg8: memref<8x!tpu.dma_semaphore, #tpu.memory_space<semaphore_mem>>) attributes {dimension_semantics = [#tpu.dimension_semantics<core_parallel>, #tpu.dimension_semantics<subcore_parallel>], iteration_bounds = array<i64: 2, 16>, scalar_prefetch = 0 : i64, scratch_operands = 4 : i64, tpu.core_type = #tpu.core_type<sc_vector_subcore>, window_params = [{transform_indices = #map}, {transform_indices = #map1}, {transform_indices = #map1}]} {
    %mul3A = arith.constant 2 : i32
    %mul3A_0 = arith.muli %arg1, %mul3A : i32
    %add3A = arith.addi %mul3A_0, %arg0 : i32
    "tpu.region"() ({
      %run_scoped3A = tpu.sem_alloc : memref<!tpu.dma_semaphore, #tpu.memory_space<semaphore_mem>>
      %dma_start3A_129 = arith.constant 0 : i32
      %dma_start3A_130 = arith.constant 0 : i32
      %dma_start3A_131 = tpu.memref_slice %arg2[%add3A, %dma_start3A_129, %dma_start3A_130] : memref<32x256x100xi32, #tpu.memory_space<hbm>> -> memref<1x256x100xi32, #tpu.memory_space<hbm>>
      %dma_start3A_132 = tpu.memref_squeeze %dma_start3A_131 : memref<1x256x100xi32, #tpu.memory_space<hbm>> -> memref<256x100xi32, #tpu.memory_space<hbm>>
      %dma_start3A_133 = arith.constant 0 : i32
      %dma_start3A_134 = arith.constant 0 : i32
      %dma_start3A_135 = tpu.memref_slice %arg2[%add3A, %dma_start3A_133, %dma_start3A_134] : memref<32x256x100xi32, #tpu.memory_space<hbm>> -> memref<1x256x100xi32, #tpu.memory_space<hbm>>
      %dma_start3A_136 = tpu.memref_squeeze %dma_start3A_135 : memref<1x256x100xi32, #tpu.memory_space<hbm>> -> memref<256x100xi32, #tpu.memory_space<hbm>>
      tpu.enqueue_dma source(%dma_start3A_136 : memref<256x100xi32, #tpu.memory_space<hbm>>) target(%arg5 : memref<256x100xi32, #tpu.memory_space<vmem>>) target_semaphore(%run_scoped3A : memref<!tpu.dma_semaphore, #tpu.memory_space<semaphore_mem>>)
      %dma_wait3A = arith.constant 0 : i32
      %dma_wait3A_137 = arith.constant 0 : i32
      %dma_wait3A_138 = tpu.memref_slice %arg2[%add3A, %dma_wait3A, %dma_wait3A_137] : memref<32x256x100xi32, #tpu.memory_space<hbm>> -> memref<1x256x100xi32, #tpu.memory_space<hbm>>
      %dma_wait3A_139 = tpu.memref_squeeze %dma_wait3A_138 : memref<1x256x100xi32, #tpu.memory_space<hbm>> -> memref<256x100xi32, #tpu.memory_space<hbm>>
      %dma_wait3A_140 = arith.constant 0 : i32
      %dma_wait3A_141 = arith.constant 0 : i32
      %dma_wait3A_142 = tpu.memref_slice %arg2[%add3A, %dma_wait3A_140, %dma_wait3A_141] : memref<32x256x100xi32, #tpu.memory_space<hbm>> -> memref<1x256x100xi32, #tpu.memory_space<hbm>>
      %dma_wait3A_143 = tpu.memref_squeeze %dma_wait3A_142 : memref<1x256x100xi32, #tpu.memory_space<hbm>> -> memref<256x100xi32, #tpu.memory_space<hbm>>
      tpu.wait_dma2 semaphore(%run_scoped3A : memref<!tpu.dma_semaphore, #tpu.memory_space<semaphore_mem>>) src(%dma_wait3A_143 : memref<256x100xi32, #tpu.memory_space<hbm>>) dst(%arg5 : memref<256x100xi32, #tpu.memory_space<vmem>>)
      tpu.yield
    }) : () -> ()
    %dma_start3A = arith.constant 0 : i32
    %dma_start3A_1 = arith.constant 0 : i32
    %dma_start3A_2 = arith.constant 0 : i32
    %dma_start3A_3 = arith.constant 0 : i32
    %dma_start3A_4 = arith.constant 0 : i32
    %dma_start3A_5 = tpu.memref_slice %arg6[%dma_start3A_1, %dma_start3A_3, %dma_start3A_4] : memref<8x100x64xf32, #tpu.memory_space<vmem>> -> memref<1x100x64xf32, #tpu.memory_space<vmem>>
    %dma_start3A_6 = tpu.memref_squeeze %dma_start3A_5 : memref<1x100x64xf32, #tpu.memory_space<vmem>> -> memref<100x64xf32, #tpu.memory_space<vmem>>
    %dma_start3A_7 = arith.constant 0 : i32
    %dma_start3A_8 = tpu.memref_slice %arg5[%dma_start3A, %dma_start3A_7] : memref<256x100xi32, #tpu.memory_space<vmem>> -> memref<1x100xi32, #tpu.memory_space<vmem>>
    %dma_start3A_9 = tpu.memref_squeeze %dma_start3A_8 : memref<1x100xi32, #tpu.memory_space<vmem>> -> memref<100xi32, #tpu.memory_space<vmem>>
    %dma_start3A_10 = arith.constant 0 : i32
    %dma_start3A_11 = arith.constant 0 : i32
    %dma_start3A_12 = tpu.memref_slice %arg3[%dma_start3A_10, %dma_start3A_11] : memref<1000000x64xf32, #tpu.memory_space<hbm>> -> memref<1000000x64xf32, #tpu.memory_space<hbm>>
    %dma_start3A_13 = tpu.memref_slice %arg8[%dma_start3A_2] : memref<8x!tpu.dma_semaphore, #tpu.memory_space<semaphore_mem>> -> memref<1x!tpu.dma_semaphore, #tpu.memory_space<semaphore_mem>>
    %dma_start3A_14 = tpu.memref_squeeze %dma_start3A_13 : memref<1x!tpu.dma_semaphore, #tpu.memory_space<semaphore_mem>> -> memref<!tpu.dma_semaphore, #tpu.memory_space<semaphore_mem>>
    tpu.enqueue_indirect_dma source(%dma_start3A_12 : memref<1000000x64xf32, #tpu.memory_space<hbm>>) target(%dma_start3A_6 : memref<100x64xf32, #tpu.memory_space<vmem>>) offsets(%dma_start3A_9 : memref<100xi32, #tpu.memory_space<vmem>>) semaphore(%dma_start3A_14 : memref<!tpu.dma_semaphore, #tpu.memory_space<semaphore_mem>>)
    %dma_start3A_15 = arith.constant 1 : i32
    %dma_start3A_16 = arith.constant 1 : i32
    %dma_start3A_17 = arith.constant 1 : i32
    %dma_start3A_18 = arith.constant 0 : i32
    %dma_start3A_19 = arith.constant 0 : i32
    %dma_start3A_20 = tpu.memref_slice %arg6[%dma_start3A_16, %dma_start3A_18, %dma_start3A_19] : memref<8x100x64xf32, #tpu.memory_space<vmem>> -> memref<1x100x64xf32, #tpu.memory_space<vmem>>
    %dma_start3A_21 = tpu.memref_squeeze %dma_start3A_20 : memref<1x100x64xf32, #tpu.memory_space<vmem>> -> memref<100x64xf32, #tpu.memory_space<vmem>>
    %dma_start3A_22 = arith.constant 0 : i32
    %dma_start3A_23 = tpu.memref_slice %arg5[%dma_start3A_15, %dma_start3A_22] : memref<256x100xi32, #tpu.memory_space<vmem>> -> memref<1x100xi32, #tpu.memory_space<vmem>>
    %dma_start3A_24 = tpu.memref_squeeze %dma_start3A_23 : memref<1x100xi32, #tpu.memory_space<vmem>> -> memref<100xi32, #tpu.memory_space<vmem>>
    %dma_start3A_25 = arith.constant 0 : i32
    %dma_start3A_26 = arith.constant 0 : i32
    %dma_start3A_27 = tpu.memref_slice %arg3[%dma_start3A_25, %dma_start3A_26] : memref<1000000x64xf32, #tpu.memory_space<hbm>> -> memref<1000000x64xf32, #tpu.memory_space<hbm>>
    %dma_start3A_28 = tpu.memref_slice %arg8[%dma_start3A_17] : memref<8x!tpu.dma_semaphore, #tpu.memory_space<semaphore_mem>> -> memref<1x!tpu.dma_semaphore, #tpu.memory_space<semaphore_mem>>
    %dma_start3A_29 = tpu.memref_squeeze %dma_start3A_28 : memref<1x!tpu.dma_semaphore, #tpu.memory_space<semaphore_mem>> -> memref<!tpu.dma_semaphore, #tpu.memory_space<semaphore_mem>>
    tpu.enqueue_indirect_dma source(%dma_start3A_27 : memref<1000000x64xf32, #tpu.memory_space<hbm>>) target(%dma_start3A_21 : memref<100x64xf32, #tpu.memory_space<vmem>>) offsets(%dma_start3A_24 : memref<100xi32, #tpu.memory_space<vmem>>) semaphore(%dma_start3A_29 : memref<!tpu.dma_semaphore, #tpu.memory_space<semaphore_mem>>)
    %dma_start3A_30 = arith.constant 2 : i32
    %dma_start3A_31 = arith.constant 2 : i32
    %dma_start3A_32 = arith.constant 2 : i32
    %dma_start3A_33 = arith.constant 0 : i32
    %dma_start3A_34 = arith.constant 0 : i32
    %dma_start3A_35 = tpu.memref_slice %arg6[%dma_start3A_31, %dma_start3A_33, %dma_start3A_34] : memref<8x100x64xf32, #tpu.memory_space<vmem>> -> memref<1x100x64xf32, #tpu.memory_space<vmem>>
    %dma_start3A_36 = tpu.memref_squeeze %dma_start3A_35 : memref<1x100x64xf32, #tpu.memory_space<vmem>> -> memref<100x64xf32, #tpu.memory_space<vmem>>
    %dma_start3A_37 = arith.constant 0 : i32
    %dma_start3A_38 = tpu.memref_slice %arg5[%dma_start3A_30, %dma_start3A_37] : memref<256x100xi32, #tpu.memory_space<vmem>> -> memref<1x100xi32, #tpu.memory_space<vmem>>
    %dma_start3A_39 = tpu.memref_squeeze %dma_start3A_38 : memref<1x100xi32, #tpu.memory_space<vmem>> -> memref<100xi32, #tpu.memory_space<vmem>>
    %dma_start3A_40 = arith.constant 0 : i32
    %dma_start3A_41 = arith.constant 0 : i32
    %dma_start3A_42 = tpu.memref_slice %arg3[%dma_start3A_40, %dma_start3A_41] : memref<1000000x64xf32, #tpu.memory_space<hbm>> -> memref<1000000x64xf32, #tpu.memory_space<hbm>>
    %dma_start3A_43 = tpu.memref_slice %arg8[%dma_start3A_32] : memref<8x!tpu.dma_semaphore, #tpu.memory_space<semaphore_mem>> -> memref<1x!tpu.dma_semaphore, #tpu.memory_space<semaphore_mem>>
    %dma_start3A_44 = tpu.memref_squeeze %dma_start3A_43 : memref<1x!tpu.dma_semaphore, #tpu.memory_space<semaphore_mem>> -> memref<!tpu.dma_semaphore, #tpu.memory_space<semaphore_mem>>
    tpu.enqueue_indirect_dma source(%dma_start3A_42 : memref<1000000x64xf32, #tpu.memory_space<hbm>>) target(%dma_start3A_36 : memref<100x64xf32, #tpu.memory_space<vmem>>) offsets(%dma_start3A_39 : memref<100xi32, #tpu.memory_space<vmem>>) semaphore(%dma_start3A_44 : memref<!tpu.dma_semaphore, #tpu.memory_space<semaphore_mem>>)
    %dma_start3A_45 = arith.constant 3 : i32
    %dma_start3A_46 = arith.constant 3 : i32
    %dma_start3A_47 = arith.constant 3 : i32
    %dma_start3A_48 = arith.constant 0 : i32
    %dma_start3A_49 = arith.constant 0 : i32
    %dma_start3A_50 = tpu.memref_slice %arg6[%dma_start3A_46, %dma_start3A_48, %dma_start3A_49] : memref<8x100x64xf32, #tpu.memory_space<vmem>> -> memref<1x100x64xf32, #tpu.memory_space<vmem>>
    %dma_start3A_51 = tpu.memref_squeeze %dma_start3A_50 : memref<1x100x64xf32, #tpu.memory_space<vmem>> -> memref<100x64xf32, #tpu.memory_space<vmem>>
    %dma_start3A_52 = arith.constant 0 : i32
    %dma_start3A_53 = tpu.memref_slice %arg5[%dma_start3A_45, %dma_start3A_52] : memref<256x100xi32, #tpu.memory_space<vmem>> -> memref<1x100xi32, #tpu.memory_space<vmem>>
    %dma_start3A_54 = tpu.memref_squeeze %dma_start3A_53 : memref<1x100xi32, #tpu.memory_space<vmem>> -> memref<100xi32, #tpu.memory_space<vmem>>
    %dma_start3A_55 = arith.constant 0 : i32
    %dma_start3A_56 = arith.constant 0 : i32
    %dma_start3A_57 = tpu.memref_slice %arg3[%dma_start3A_55, %dma_start3A_56] : memref<1000000x64xf32, #tpu.memory_space<hbm>> -> memref<1000000x64xf32, #tpu.memory_space<hbm>>
    %dma_start3A_58 = tpu.memref_slice %arg8[%dma_start3A_47] : memref<8x!tpu.dma_semaphore, #tpu.memory_space<semaphore_mem>> -> memref<1x!tpu.dma_semaphore, #tpu.memory_space<semaphore_mem>>
    %dma_start3A_59 = tpu.memref_squeeze %dma_start3A_58 : memref<1x!tpu.dma_semaphore, #tpu.memory_space<semaphore_mem>> -> memref<!tpu.dma_semaphore, #tpu.memory_space<semaphore_mem>>
    tpu.enqueue_indirect_dma source(%dma_start3A_57 : memref<1000000x64xf32, #tpu.memory_space<hbm>>) target(%dma_start3A_51 : memref<100x64xf32, #tpu.memory_space<vmem>>) offsets(%dma_start3A_54 : memref<100xi32, #tpu.memory_space<vmem>>) semaphore(%dma_start3A_59 : memref<!tpu.dma_semaphore, #tpu.memory_space<semaphore_mem>>)
    %dma_start3A_60 = arith.constant 4 : i32
    %dma_start3A_61 = arith.constant 4 : i32
    %dma_start3A_62 = arith.constant 4 : i32
    %dma_start3A_63 = arith.constant 0 : i32
    %dma_start3A_64 = arith.constant 0 : i32
    %dma_start3A_65 = tpu.memref_slice %arg6[%dma_start3A_61, %dma_start3A_63, %dma_start3A_64] : memref<8x100x64xf32, #tpu.memory_space<vmem>> -> memref<1x100x64xf32, #tpu.memory_space<vmem>>
    %dma_start3A_66 = tpu.memref_squeeze %dma_start3A_65 : memref<1x100x64xf32, #tpu.memory_space<vmem>> -> memref<100x64xf32, #tpu.memory_space<vmem>>
    %dma_start3A_67 = arith.constant 0 : i32
    %dma_start3A_68 = tpu.memref_slice %arg5[%dma_start3A_60, %dma_start3A_67] : memref<256x100xi32, #tpu.memory_space<vmem>> -> memref<1x100xi32, #tpu.memory_space<vmem>>
    %dma_start3A_69 = tpu.memref_squeeze %dma_start3A_68 : memref<1x100xi32, #tpu.memory_space<vmem>> -> memref<100xi32, #tpu.memory_space<vmem>>
    %dma_start3A_70 = arith.constant 0 : i32
    %dma_start3A_71 = arith.constant 0 : i32
    %dma_start3A_72 = tpu.memref_slice %arg3[%dma_start3A_70, %dma_start3A_71] : memref<1000000x64xf32, #tpu.memory_space<hbm>> -> memref<1000000x64xf32, #tpu.memory_space<hbm>>
    %dma_start3A_73 = tpu.memref_slice %arg8[%dma_start3A_62] : memref<8x!tpu.dma_semaphore, #tpu.memory_space<semaphore_mem>> -> memref<1x!tpu.dma_semaphore, #tpu.memory_space<semaphore_mem>>
    %dma_start3A_74 = tpu.memref_squeeze %dma_start3A_73 : memref<1x!tpu.dma_semaphore, #tpu.memory_space<semaphore_mem>> -> memref<!tpu.dma_semaphore, #tpu.memory_space<semaphore_mem>>
    tpu.enqueue_indirect_dma source(%dma_start3A_72 : memref<1000000x64xf32, #tpu.memory_space<hbm>>) target(%dma_start3A_66 : memref<100x64xf32, #tpu.memory_space<vmem>>) offsets(%dma_start3A_69 : memref<100xi32, #tpu.memory_space<vmem>>) semaphore(%dma_start3A_74 : memref<!tpu.dma_semaphore, #tpu.memory_space<semaphore_mem>>)
    %dma_start3A_75 = arith.constant 5 : i32
    %dma_start3A_76 = arith.constant 5 : i32
    %dma_start3A_77 = arith.constant 5 : i32
    %dma_start3A_78 = arith.constant 0 : i32
    %dma_start3A_79 = arith.constant 0 : i32
    %dma_start3A_80 = tpu.memref_slice %arg6[%dma_start3A_76, %dma_start3A_78, %dma_start3A_79] : memref<8x100x64xf32, #tpu.memory_space<vmem>> -> memref<1x100x64xf32, #tpu.memory_space<vmem>>
    %dma_start3A_81 = tpu.memref_squeeze %dma_start3A_80 : memref<1x100x64xf32, #tpu.memory_space<vmem>> -> memref<100x64xf32, #tpu.memory_space<vmem>>
    %dma_start3A_82 = arith.constant 0 : i32
    %dma_start3A_83 = tpu.memref_slice %arg5[%dma_start3A_75, %dma_start3A_82] : memref<256x100xi32, #tpu.memory_space<vmem>> -> memref<1x100xi32, #tpu.memory_space<vmem>>
    %dma_start3A_84 = tpu.memref_squeeze %dma_start3A_83 : memref<1x100xi32, #tpu.memory_space<vmem>> -> memref<100xi32, #tpu.memory_space<vmem>>
    %dma_start3A_85 = arith.constant 0 : i32
    %dma_start3A_86 = arith.constant 0 : i32
    %dma_start3A_87 = tpu.memref_slice %arg3[%dma_start3A_85, %dma_start3A_86] : memref<1000000x64xf32, #tpu.memory_space<hbm>> -> memref<1000000x64xf32, #tpu.memory_space<hbm>>
    %dma_start3A_88 = tpu.memref_slice %arg8[%dma_start3A_77] : memref<8x!tpu.dma_semaphore, #tpu.memory_space<semaphore_mem>> -> memref<1x!tpu.dma_semaphore, #tpu.memory_space<semaphore_mem>>
    %dma_start3A_89 = tpu.memref_squeeze %dma_start3A_88 : memref<1x!tpu.dma_semaphore, #tpu.memory_space<semaphore_mem>> -> memref<!tpu.dma_semaphore, #tpu.memory_space<semaphore_mem>>
    tpu.enqueue_indirect_dma source(%dma_start3A_87 : memref<1000000x64xf32, #tpu.memory_space<hbm>>) target(%dma_start3A_81 : memref<100x64xf32, #tpu.memory_space<vmem>>) offsets(%dma_start3A_84 : memref<100xi32, #tpu.memory_space<vmem>>) semaphore(%dma_start3A_89 : memref<!tpu.dma_semaphore, #tpu.memory_space<semaphore_mem>>)
    %dma_start3A_90 = arith.constant 6 : i32
    %dma_start3A_91 = arith.constant 6 : i32
    %dma_start3A_92 = arith.constant 6 : i32
    %dma_start3A_93 = arith.constant 0 : i32
    %dma_start3A_94 = arith.constant 0 : i32
    %dma_start3A_95 = tpu.memref_slice %arg6[%dma_start3A_91, %dma_start3A_93, %dma_start3A_94] : memref<8x100x64xf32, #tpu.memory_space<vmem>> -> memref<1x100x64xf32, #tpu.memory_space<vmem>>
    %dma_start3A_96 = tpu.memref_squeeze %dma_start3A_95 : memref<1x100x64xf32, #tpu.memory_space<vmem>> -> memref<100x64xf32, #tpu.memory_space<vmem>>
    %dma_start3A_97 = arith.constant 0 : i32
    %dma_start3A_98 = tpu.memref_slice %arg5[%dma_start3A_90, %dma_start3A_97] : memref<256x100xi32, #tpu.memory_space<vmem>> -> memref<1x100xi32, #tpu.memory_space<vmem>>
    %dma_start3A_99 = tpu.memref_squeeze %dma_start3A_98 : memref<1x100xi32, #tpu.memory_space<vmem>> -> memref<100xi32, #tpu.memory_space<vmem>>
    %dma_start3A_100 = arith.constant 0 : i32
    %dma_start3A_101 = arith.constant 0 : i32
    %dma_start3A_102 = tpu.memref_slice %arg3[%dma_start3A_100, %dma_start3A_101] : memref<1000000x64xf32, #tpu.memory_space<hbm>> -> memref<1000000x64xf32, #tpu.memory_space<hbm>>
    %dma_start3A_103 = tpu.memref_slice %arg8[%dma_start3A_92] : memref<8x!tpu.dma_semaphore, #tpu.memory_space<semaphore_mem>> -> memref<1x!tpu.dma_semaphore, #tpu.memory_space<semaphore_mem>>
    %dma_start3A_104 = tpu.memref_squeeze %dma_start3A_103 : memref<1x!tpu.dma_semaphore, #tpu.memory_space<semaphore_mem>> -> memref<!tpu.dma_semaphore, #tpu.memory_space<semaphore_mem>>
    tpu.enqueue_indirect_dma source(%dma_start3A_102 : memref<1000000x64xf32, #tpu.memory_space<hbm>>) target(%dma_start3A_96 : memref<100x64xf32, #tpu.memory_space<vmem>>) offsets(%dma_start3A_99 : memref<100xi32, #tpu.memory_space<vmem>>) semaphore(%dma_start3A_104 : memref<!tpu.dma_semaphore, #tpu.memory_space<semaphore_mem>>)
    %dma_start3A_105 = arith.constant 7 : i32
    %dma_start3A_106 = arith.constant 7 : i32
    %dma_start3A_107 = arith.constant 7 : i32
    %dma_start3A_108 = arith.constant 0 : i32
    %dma_start3A_109 = arith.constant 0 : i32
    %dma_start3A_110 = tpu.memref_slice %arg6[%dma_start3A_106, %dma_start3A_108, %dma_start3A_109] : memref<8x100x64xf32, #tpu.memory_space<vmem>> -> memref<1x100x64xf32, #tpu.memory_space<vmem>>
    %dma_start3A_111 = tpu.memref_squeeze %dma_start3A_110 : memref<1x100x64xf32, #tpu.memory_space<vmem>> -> memref<100x64xf32, #tpu.memory_space<vmem>>
    %dma_start3A_112 = arith.constant 0 : i32
    %dma_start3A_113 = tpu.memref_slice %arg5[%dma_start3A_105, %dma_start3A_112] : memref<256x100xi32, #tpu.memory_space<vmem>> -> memref<1x100xi32, #tpu.memory_space<vmem>>
    %dma_start3A_114 = tpu.memref_squeeze %dma_start3A_113 : memref<1x100xi32, #tpu.memory_space<vmem>> -> memref<100xi32, #tpu.memory_space<vmem>>
    %dma_start3A_115 = arith.constant 0 : i32
    %dma_start3A_116 = arith.constant 0 : i32
    %dma_start3A_117 = tpu.memref_slice %arg3[%dma_start3A_115, %dma_start3A_116] : memref<1000000x64xf32, #tpu.memory_space<hbm>> -> memref<1000000x64xf32, #tpu.memory_space<hbm>>
    %dma_start3A_118 = tpu.memref_slice %arg8[%dma_start3A_107] : memref<8x!tpu.dma_semaphore, #tpu.memory_space<semaphore_mem>> -> memref<1x!tpu.dma_semaphore, #tpu.memory_space<semaphore_mem>>
    %dma_start3A_119 = tpu.memref_squeeze %dma_start3A_118 : memref<1x!tpu.dma_semaphore, #tpu.memory_space<semaphore_mem>> -> memref<!tpu.dma_semaphore, #tpu.memory_space<semaphore_mem>>
    tpu.enqueue_indirect_dma source(%dma_start3A_117 : memref<1000000x64xf32, #tpu.memory_space<hbm>>) target(%dma_start3A_111 : memref<100x64xf32, #tpu.memory_space<vmem>>) offsets(%dma_start3A_114 : memref<100xi32, #tpu.memory_space<vmem>>) semaphore(%dma_start3A_119 : memref<!tpu.dma_semaphore, #tpu.memory_space<semaphore_mem>>)
    %scan3A = arith.constant 5.000000e-03 : f32
    %scan3A_120 = arith.constant 0 : i32
    %scan3A_121 = arith.constant 0 : i32
    %scan3A_122 = arith.constant 32 : i32
    %scan3A_123 = arith.addi %scan3A_121, %scan3A_122 : i32
    %scan3A_124 = arith.constant 1 : i32
    %scan3A_125 = scf.for %scan3A_129 = %scan3A_121 to %scan3A_123 step %scan3A_124 iter_args(%scan3A_130 = %scan3A_120) -> (i32)  : i32 {
      %mul3A_131 = arith.constant 4 : i32
      %mul3A_132 = arith.muli %scan3A_129, %mul3A_131 : i32
      %add3A_133 = arith.constant 0 : i32
      %add3A_134 = arith.addi %mul3A_132, %add3A_133 : i32
      %broadcast_in_dim3A = arith.constant 0.000000e+00 : f32
      %broadcast_in_dim3A_135 = vector.broadcast %broadcast_in_dim3A : f32 to vector<16xf32>
      %broadcast_in_dim3A_136 = arith.constant 0.000000e+00 : f32
      %broadcast_in_dim3A_137 = vector.broadcast %broadcast_in_dim3A_136 : f32 to vector<16xf32>
      %broadcast_in_dim3A_138 = arith.constant 0.000000e+00 : f32
      %broadcast_in_dim3A_139 = vector.broadcast %broadcast_in_dim3A_138 : f32 to vector<16xf32>
      %broadcast_in_dim3A_140 = arith.constant 0.000000e+00 : f32
      %broadcast_in_dim3A_141 = vector.broadcast %broadcast_in_dim3A_140 : f32 to vector<16xf32>
      %dma_wait3A = arith.constant 0 : i32
      %dma_wait3A_142 = arith.constant 0 : i32
      %dma_wait3A_143 = arith.constant 0 : i32
      %dma_wait3A_144 = arith.constant 0 : i32
      %dma_wait3A_145 = arith.constant 0 : i32
      %dma_wait3A_146 = tpu.memref_slice %arg6[%dma_wait3A_142, %dma_wait3A_144, %dma_wait3A_145] : memref<8x100x64xf32, #tpu.memory_space<vmem>> -> memref<1x100x64xf32, #tpu.memory_space<vmem>>
      %dma_wait3A_147 = tpu.memref_squeeze %dma_wait3A_146 : memref<1x100x64xf32, #tpu.memory_space<vmem>> -> memref<100x64xf32, #tpu.memory_space<vmem>>
      %dma_wait3A_148 = arith.constant 0 : i32
      %dma_wait3A_149 = tpu.memref_slice %arg5[%dma_wait3A, %dma_wait3A_148] : memref<256x100xi32, #tpu.memory_space<vmem>> -> memref<1x100xi32, #tpu.memory_space<vmem>>
      %dma_wait3A_150 = tpu.memref_squeeze %dma_wait3A_149 : memref<1x100xi32, #tpu.memory_space<vmem>> -> memref<100xi32, #tpu.memory_space<vmem>>
      %dma_wait3A_151 = arith.constant 0 : i32
      %dma_wait3A_152 = arith.constant 0 : i32
      %dma_wait3A_153 = tpu.memref_slice %arg3[%dma_wait3A_151, %dma_wait3A_152] : memref<1000000x64xf32, #tpu.memory_space<hbm>> -> memref<1000000x64xf32, #tpu.memory_space<hbm>>
      %dma_wait3A_154 = tpu.memref_slice %arg8[%dma_wait3A_143] : memref<8x!tpu.dma_semaphore, #tpu.memory_space<semaphore_mem>> -> memref<1x!tpu.dma_semaphore, #tpu.memory_space<semaphore_mem>>
      %dma_wait3A_155 = tpu.memref_squeeze %dma_wait3A_154 : memref<1x!tpu.dma_semaphore, #tpu.memory_space<semaphore_mem>> -> memref<!tpu.dma_semaphore, #tpu.memory_space<semaphore_mem>>
      tpu.wait_indirect_dma semaphore(%dma_wait3A_155 : memref<!tpu.dma_semaphore, #tpu.memory_space<semaphore_mem>>) src(%dma_wait3A_153 : memref<1000000x64xf32, #tpu.memory_space<hbm>>) dst(%dma_wait3A_147 : memref<100x64xf32, #tpu.memory_space<vmem>>)
      %scan3A_156 = arith.constant 0 : i32
      %scan3A_157 = arith.constant 100 : i32
      %scan3A_158 = arith.addi %scan3A_156, %scan3A_157 : i32
      %scan3A_159 = arith.constant 2 : i32
      %scan3A_160:4 = scf.for %scan3A_476 = %scan3A_156 to %scan3A_158 step %scan3A_159 iter_args(%scan3A_477 = %broadcast_in_dim3A_135, %scan3A_478 = %broadcast_in_dim3A_137, %scan3A_479 = %broadcast_in_dim3A_139, %scan3A_480 = %broadcast_in_dim3A_141) -> (vector<16xf32>, vector<16xf32>, vector<16xf32>, vector<16xf32>)  : i32 {
        %get3A = arith.constant 0 : i32
        %get3A_481 = arith.index_cast %get3A : i32 to index
        %get3A_482 = arith.index_cast %scan3A_476 : i32 to index
        %get3A_483 = arith.constant 0 : index
        %get3A_484 = tpu.vector_load %arg6[%get3A_481, %get3A_482, %get3A_483] {strides = array<i32>} : memref<8x100x64xf32, #tpu.memory_space<vmem>>, vector<1x1x16xf32>,
        %get3A_485 = vector.shape_cast %get3A_484 : vector<1x1x16xf32> to vector<16xf32>
        %add3A_486 = arith.addf %scan3A_477, %get3A_485 : vector<16xf32>
        %get3A_487 = arith.constant 0 : i32
        %get3A_488 = arith.index_cast %get3A_487 : i32 to index
        %get3A_489 = arith.index_cast %scan3A_476 : i32 to index
        %get3A_490 = arith.constant 16 : index
        %get3A_491 = tpu.vector_load %arg6[%get3A_488, %get3A_489, %get3A_490] {strides = array<i32>} : memref<8x100x64xf32, #tpu.memory_space<vmem>>, vector<1x1x16xf32>,
        %get3A_492 = vector.shape_cast %get3A_491 : vector<1x1x16xf32> to vector<16xf32>
        %add3A_493 = arith.addf %scan3A_478, %get3A_492 : vector<16xf32>
        %get3A_494 = arith.constant 0 : i32
        %get3A_495 = arith.index_cast %get3A_494 : i32 to index
        %get3A_496 = arith.index_cast %scan3A_476 : i32 to index
        %get3A_497 = arith.constant 32 : index
        %get3A_498 = tpu.vector_load %arg6[%get3A_495, %get3A_496, %get3A_497] {strides = array<i32>} : memref<8x100x64xf32, #tpu.memory_space<vmem>>, vector<1x1x16xf32>,
        %get3A_499 = vector.shape_cast %get3A_498 : vector<1x1x16xf32> to vector<16xf32>
        %add3A_500 = arith.addf %scan3A_479, %get3A_499 : vector<16xf32>
        %get3A_501 = arith.constant 0 : i32
        %get3A_502 = arith.index_cast %get3A_501 : i32 to index
        %get3A_503 = arith.index_cast %scan3A_476 : i32 to index
        %get3A_504 = arith.constant 48 : index
        %get3A_505 = tpu.vector_load %arg6[%get3A_502, %get3A_503, %get3A_504] {strides = array<i32>} : memref<8x100x64xf32, #tpu.memory_space<vmem>>, vector<1x1x16xf32>,
        %get3A_506 = vector.shape_cast %get3A_505 : vector<1x1x16xf32> to vector<16xf32>
        %add3A_507 = arith.addf %scan3A_480, %get3A_506 : vector<16xf32>
        %scan3A_508 = arith.constant 1 : i32
        %scan3A_509 = arith.addi %scan3A_476, %scan3A_508 : i32
        %get3A_510 = arith.constant 0 : i32
        %get3A_511 = arith.index_cast %get3A_510 : i32 to index
        %get3A_512 = arith.index_cast %scan3A_509 : i32 to index
        %get3A_513 = arith.constant 0 : index
        %get3A_514 = tpu.vector_load %arg6[%get3A_511, %get3A_512, %get3A_513] {strides = array<i32>} : memref<8x100x64xf32, #tpu.memory_space<vmem>>, vector<1x1x16xf32>,
        %get3A_515 = vector.shape_cast %get3A_514 : vector<1x1x16xf32> to vector<16xf32>
        %add3A_516 = arith.addf %add3A_486, %get3A_515 : vector<16xf32>
        %get3A_517 = arith.constant 0 : i32
        %get3A_518 = arith.index_cast %get3A_517 : i32 to index
        %get3A_519 = arith.index_cast %scan3A_509 : i32 to index
        %get3A_520 = arith.constant 16 : index
        %get3A_521 = tpu.vector_load %arg6[%get3A_518, %get3A_519, %get3A_520] {strides = array<i32>} : memref<8x100x64xf32, #tpu.memory_space<vmem>>, vector<1x1x16xf32>,
        %get3A_522 = vector.shape_cast %get3A_521 : vector<1x1x16xf32> to vector<16xf32>
        %add3A_523 = arith.addf %add3A_493, %get3A_522 : vector<16xf32>
        %get3A_524 = arith.constant 0 : i32
        %get3A_525 = arith.index_cast %get3A_524 : i32 to index
        %get3A_526 = arith.index_cast %scan3A_509 : i32 to index
        %get3A_527 = arith.constant 32 : index
        %get3A_528 = tpu.vector_load %arg6[%get3A_525, %get3A_526, %get3A_527] {strides = array<i32>} : memref<8x100x64xf32, #tpu.memory_space<vmem>>, vector<1x1x16xf32>,
        %get3A_529 = vector.shape_cast %get3A_528 : vector<1x1x16xf32> to vector<16xf32>
        %add3A_530 = arith.addf %add3A_500, %get3A_529 : vector<16xf32>
        %get3A_531 = arith.constant 0 : i32
        %get3A_532 = arith.index_cast %get3A_531 : i32 to index
        %get3A_533 = arith.index_cast %scan3A_509 : i32 to index
        %get3A_534 = arith.constant 48 : index
        %get3A_535 = tpu.vector_load %arg6[%get3A_532, %get3A_533, %get3A_534] {strides = array<i32>} : memref<8x100x64xf32, #tpu.memory_space<vmem>>, vector<1x1x16xf32>,
        %get3A_536 = vector.shape_cast %get3A_535 : vector<1x1x16xf32> to vector<16xf32>
        %add3A_537 = arith.addf %add3A_507, %get3A_536 : vector<16xf32>
        scf.yield %add3A_516, %add3A_523, %add3A_530, %add3A_537 : vector<16xf32>, vector<16xf32>, vector<16xf32>, vector<16xf32>
      }
      %scan3A_161 = arith.constant 100 : i32
      %dma_wait3A_162 = arith.constant 0 : i32
      %dma_wait3A_163 = arith.constant 1 : i32
      %dma_wait3A_164 = arith.constant 1 : i32
      %dma_wait3A_165 = arith.constant 0 : i32
      %dma_wait3A_166 = arith.constant 0 : i32
      %dma_wait3A_167 = tpu.memref_slice %arg6[%dma_wait3A_163, %dma_wait3A_165, %dma_wait3A_166] : memref<8x100x64xf32, #tpu.memory_space<vmem>> -> memref<1x100x64xf32, #tpu.memory_space<vmem>>
      %dma_wait3A_168 = tpu.memref_squeeze %dma_wait3A_167 : memref<1x100x64xf32, #tpu.memory_space<vmem>> -> memref<100x64xf32, #tpu.memory_space<vmem>>
      %dma_wait3A_169 = arith.constant 0 : i32
      %dma_wait3A_170 = tpu.memref_slice %arg5[%dma_wait3A_162, %dma_wait3A_169] : memref<256x100xi32, #tpu.memory_space<vmem>> -> memref<1x100xi32, #tpu.memory_space<vmem>>
      %dma_wait3A_171 = tpu.memref_squeeze %dma_wait3A_170 : memref<1x100xi32, #tpu.memory_space<vmem>> -> memref<100xi32, #tpu.memory_space<vmem>>
      %dma_wait3A_172 = arith.constant 0 : i32
      %dma_wait3A_173 = arith.constant 0 : i32
      %dma_wait3A_174 = tpu.memref_slice %arg3[%dma_wait3A_172, %dma_wait3A_173] : memref<1000000x64xf32, #tpu.memory_space<hbm>> -> memref<1000000x64xf32, #tpu.memory_space<hbm>>
      %dma_wait3A_175 = tpu.memref_slice %arg8[%dma_wait3A_164] : memref<8x!tpu.dma_semaphore, #tpu.memory_space<semaphore_mem>> -> memref<1x!tpu.dma_semaphore, #tpu.memory_space<semaphore_mem>>
      %dma_wait3A_176 = tpu.memref_squeeze %dma_wait3A_175 : memref<1x!tpu.dma_semaphore, #tpu.memory_space<semaphore_mem>> -> memref<!tpu.dma_semaphore, #tpu.memory_space<semaphore_mem>>
      tpu.wait_indirect_dma semaphore(%dma_wait3A_176 : memref<!tpu.dma_semaphore, #tpu.memory_space<semaphore_mem>>) src(%dma_wait3A_174 : memref<1000000x64xf32, #tpu.memory_space<hbm>>) dst(%dma_wait3A_168 : memref<100x64xf32, #tpu.memory_space<vmem>>)
      %scan3A_177 = arith.constant 0 : i32
      %scan3A_178 = arith.constant 100 : i32
      %scan3A_179 = arith.addi %scan3A_177, %scan3A_178 : i32
      %scan3A_180 = arith.constant 2 : i32
      %scan3A_181:4 = scf.for %scan3A_476 = %scan3A_177 to %scan3A_179 step %scan3A_180 iter_args(%scan3A_477 = %scan3A_160#0, %scan3A_478 = %scan3A_160#1, %scan3A_479 = %scan3A_160#2, %scan3A_480 = %scan3A_160#3) -> (vector<16xf32>, vector<16xf32>, vector<16xf32>, vector<16xf32>)  : i32 {
        %get3A = arith.constant 1 : i32
        %get3A_481 = arith.index_cast %get3A : i32 to index
        %get3A_482 = arith.index_cast %scan3A_476 : i32 to index
        %get3A_483 = arith.constant 0 : index
        %get3A_484 = tpu.vector_load %arg6[%get3A_481, %get3A_482, %get3A_483] {strides = array<i32>} : memref<8x100x64xf32, #tpu.memory_space<vmem>>, vector<1x1x16xf32>,
        %get3A_485 = vector.shape_cast %get3A_484 : vector<1x1x16xf32> to vector<16xf32>
        %add3A_486 = arith.addf %scan3A_477, %get3A_485 : vector<16xf32>
        %get3A_487 = arith.constant 1 : i32
        %get3A_488 = arith.index_cast %get3A_487 : i32 to index
        %get3A_489 = arith.index_cast %scan3A_476 : i32 to index
        %get3A_490 = arith.constant 16 : index
        %get3A_491 = tpu.vector_load %arg6[%get3A_488, %get3A_489, %get3A_490] {strides = array<i32>} : memref<8x100x64xf32, #tpu.memory_space<vmem>>, vector<1x1x16xf32>,
        %get3A_492 = vector.shape_cast %get3A_491 : vector<1x1x16xf32> to vector<16xf32>
        %add3A_493 = arith.addf %scan3A_478, %get3A_492 : vector<16xf32>
        %get3A_494 = arith.constant 1 : i32
        %get3A_495 = arith.index_cast %get3A_494 : i32 to index
        %get3A_496 = arith.index_cast %scan3A_476 : i32 to index
        %get3A_497 = arith.constant 32 : index
        %get3A_498 = tpu.vector_load %arg6[%get3A_495, %get3A_496, %get3A_497] {strides = array<i32>} : memref<8x100x64xf32, #tpu.memory_space<vmem>>, vector<1x1x16xf32>,
        %get3A_499 = vector.shape_cast %get3A_498 : vector<1x1x16xf32> to vector<16xf32>
        %add3A_500 = arith.addf %scan3A_479, %get3A_499 : vector<16xf32>
        %get3A_501 = arith.constant 1 : i32
        %get3A_502 = arith.index_cast %get3A_501 : i32 to index
        %get3A_503 = arith.index_cast %scan3A_476 : i32 to index
        %get3A_504 = arith.constant 48 : index
        %get3A_505 = tpu.vector_load %arg6[%get3A_502, %get3A_503, %get3A_504] {strides = array<i32>} : memref<8x100x64xf32, #tpu.memory_space<vmem>>, vector<1x1x16xf32>,
        %get3A_506 = vector.shape_cast %get3A_505 : vector<1x1x16xf32> to vector<16xf32>
        %add3A_507 = arith.addf %scan3A_480, %get3A_506 : vector<16xf32>
        %scan3A_508 = arith.constant 1 : i32
        %scan3A_509 = arith.addi %scan3A_476, %scan3A_508 : i32
        %get3A_510 = arith.constant 1 : i32
        %get3A_511 = arith.index_cast %get3A_510 : i32 to index
        %get3A_512 = arith.index_cast %scan3A_509 : i32 to index
        %get3A_513 = arith.constant 0 : index
        %get3A_514 = tpu.vector_load %arg6[%get3A_511, %get3A_512, %get3A_513] {strides = array<i32>} : memref<8x100x64xf32, #tpu.memory_space<vmem>>, vector<1x1x16xf32>,
        %get3A_515 = vector.shape_cast %get3A_514 : vector<1x1x16xf32> to vector<16xf32>
        %add3A_516 = arith.addf %add3A_486, %get3A_515 : vector<16xf32>
        %get3A_517 = arith.constant 1 : i32
        %get3A_518 = arith.index_cast %get3A_517 : i32 to index
        %get3A_519 = arith.index_cast %scan3A_509 : i32 to index
        %get3A_520 = arith.constant 16 : index
        %get3A_521 = tpu.vector_load %arg6[%get3A_518, %get3A_519, %get3A_520] {strides = array<i32>} : memref<8x100x64xf32, #tpu.memory_space<vmem>>, vector<1x1x16xf32>,
        %get3A_522 = vector.shape_cast %get3A_521 : vector<1x1x16xf32> to vector<16xf32>
        %add3A_523 = arith.addf %add3A_493, %get3A_522 : vector<16xf32>
        %get3A_524 = arith.constant 1 : i32
        %get3A_525 = arith.index_cast %get3A_524 : i32 to index
        %get3A_526 = arith.index_cast %scan3A_509 : i32 to index
        %get3A_527 = arith.constant 32 : index
        %get3A_528 = tpu.vector_load %arg6[%get3A_525, %get3A_526, %get3A_527] {strides = array<i32>} : memref<8x100x64xf32, #tpu.memory_space<vmem>>, vector<1x1x16xf32>,
        %get3A_529 = vector.shape_cast %get3A_528 : vector<1x1x16xf32> to vector<16xf32>
        %add3A_530 = arith.addf %add3A_500, %get3A_529 : vector<16xf32>
        %get3A_531 = arith.constant 1 : i32
        %get3A_532 = arith.index_cast %get3A_531 : i32 to index
        %get3A_533 = arith.index_cast %scan3A_509 : i32 to index
        %get3A_534 = arith.constant 48 : index
        %get3A_535 = tpu.vector_load %arg6[%get3A_532, %get3A_533, %get3A_534] {strides = array<i32>} : memref<8x100x64xf32, #tpu.memory_space<vmem>>, vector<1x1x16xf32>,
        %get3A_536 = vector.shape_cast %get3A_535 : vector<1x1x16xf32> to vector<16xf32>
        %add3A_537 = arith.addf %add3A_507, %get3A_536 : vector<16xf32>
        scf.yield %add3A_516, %add3A_523, %add3A_530, %add3A_537 : vector<16xf32>, vector<16xf32>, vector<16xf32>, vector<16xf32>
      }
      %scan3A_182 = arith.constant 100 : i32
      %mul3A_183 = vector.broadcast %scan3A : f32 to vector<16xf32>
      %mul3A_184 = arith.mulf %scan3A_181#0, %mul3A_183 : vector<16xf32>
      %swap3A = arith.index_cast %add3A_134 : i32 to index
      %swap3A_185 = arith.constant 0 : index
      %swap3A_186 = tpu.vector_load %arg7[%swap3A, %swap3A_185] {strides = array<i32>} : memref<128x64xf32, #tpu.memory_space<vmem>>, vector<1x16xf32>,
      %swap3A_187 = vector.shape_cast %swap3A_186 : vector<1x16xf32> to vector<16xf32>
      %swap3A_188 = vector.shape_cast %mul3A_184 : vector<16xf32> to vector<1x16xf32>
      tpu.vector_store %arg7[%swap3A, %swap3A_185], %swap3A_188 {strides = array<i32>} : memref<128x64xf32, #tpu.memory_space<vmem>>, vector<1x16xf32>,
      %mul3A_189 = vector.broadcast %scan3A : f32 to vector<16xf32>
      %mul3A_190 = arith.mulf %scan3A_181#1, %mul3A_189 : vector<16xf32>
      %swap3A_191 = arith.index_cast %add3A_134 : i32 to index
      %swap3A_192 = arith.constant 16 : index
      %swap3A_193 = tpu.vector_load %arg7[%swap3A_191, %swap3A_192] {strides = array<i32>} : memref<128x64xf32, #tpu.memory_space<vmem>>, vector<1x16xf32>,
      %swap3A_194 = vector.shape_cast %swap3A_193 : vector<1x16xf32> to vector<16xf32>
      %swap3A_195 = vector.shape_cast %mul3A_190 : vector<16xf32> to vector<1x16xf32>
      tpu.vector_store %arg7[%swap3A_191, %swap3A_192], %swap3A_195 {strides = array<i32>} : memref<128x64xf32, #tpu.memory_space<vmem>>, vector<1x16xf32>,
      %mul3A_196 = vector.broadcast %scan3A : f32 to vector<16xf32>
      %mul3A_197 = arith.mulf %scan3A_181#2, %mul3A_196 : vector<16xf32>
      %swap3A_198 = arith.index_cast %add3A_134 : i32 to index
      %swap3A_199 = arith.constant 32 : index
      %swap3A_200 = tpu.vector_load %arg7[%swap3A_198, %swap3A_199] {strides = array<i32>} : memref<128x64xf32, #tpu.memory_space<vmem>>, vector<1x16xf32>,
      %swap3A_201 = vector.shape_cast %swap3A_200 : vector<1x16xf32> to vector<16xf32>
      %swap3A_202 = vector.shape_cast %mul3A_197 : vector<16xf32> to vector<1x16xf32>
      tpu.vector_store %arg7[%swap3A_198, %swap3A_199], %swap3A_202 {strides = array<i32>} : memref<128x64xf32, #tpu.memory_space<vmem>>, vector<1x16xf32>,
      %mul3A_203 = vector.broadcast %scan3A : f32 to vector<16xf32>
      %mul3A_204 = arith.mulf %scan3A_181#3, %mul3A_203 : vector<16xf32>
      %swap3A_205 = arith.index_cast %add3A_134 : i32 to index
      %swap3A_206 = arith.constant 48 : index
      %swap3A_207 = tpu.vector_load %arg7[%swap3A_205, %swap3A_206] {strides = array<i32>} : memref<128x64xf32, #tpu.memory_space<vmem>>, vector<1x16xf32>,
      %swap3A_208 = vector.shape_cast %swap3A_207 : vector<1x16xf32> to vector<16xf32>
      %swap3A_209 = vector.shape_cast %mul3A_204 : vector<16xf32> to vector<1x16xf32>
      tpu.vector_store %arg7[%swap3A_205, %swap3A_206], %swap3A_209 {strides = array<i32>} : memref<128x64xf32, #tpu.memory_space<vmem>>, vector<1x16xf32>,
      %add3A_210 = arith.constant 4 : i32
      %add3A_211 = arith.addi %add3A_134, %add3A_210 : i32
      %lt3A = arith.constant 128 : i32
      %lt3A_212 = arith.cmpi slt, %add3A_211, %lt3A : i32
      %convert_element_type3A = arith.extui %lt3A_212 : i1 to i32
      %cond3A = arith.constant 0 : i32
      %cond3A_213 = arith.cmpi ne, %convert_element_type3A, %cond3A : i32
      scf.if %cond3A_213 {
        %add3A_476 = arith.constant 4 : i32
        %add3A_477 = arith.addi %add3A_134, %add3A_476 : i32
        %mul3A_478 = arith.constant 2 : i32
        %mul3A_479 = arith.muli %add3A_477, %mul3A_478 : i32
        %add3A_480 = arith.constant 0 : i32
        %add3A_481 = arith.addi %mul3A_479, %add3A_480 : i32
        %dma_start3A_482 = arith.constant 0 : i32
        %dma_start3A_483 = arith.constant 0 : i32
        %dma_start3A_484 = arith.constant 0 : i32
        %dma_start3A_485 = arith.constant 0 : i32
        %dma_start3A_486 = tpu.memref_slice %arg6[%dma_start3A_482, %dma_start3A_484, %dma_start3A_485] : memref<8x100x64xf32, #tpu.memory_space<vmem>> -> memref<1x100x64xf32, #tpu.memory_space<vmem>>
        %dma_start3A_487 = tpu.memref_squeeze %dma_start3A_486 : memref<1x100x64xf32, #tpu.memory_space<vmem>> -> memref<100x64xf32, #tpu.memory_space<vmem>>
        %dma_start3A_488 = arith.constant 0 : i32
        %dma_start3A_489 = tpu.memref_slice %arg5[%add3A_481, %dma_start3A_488] : memref<256x100xi32, #tpu.memory_space<vmem>> -> memref<1x100xi32, #tpu.memory_space<vmem>>
        %dma_start3A_490 = tpu.memref_squeeze %dma_start3A_489 : memref<1x100xi32, #tpu.memory_space<vmem>> -> memref<100xi32, #tpu.memory_space<vmem>>
        %dma_start3A_491 = arith.constant 0 : i32
        %dma_start3A_492 = arith.constant 0 : i32
        %dma_start3A_493 = tpu.memref_slice %arg3[%dma_start3A_491, %dma_start3A_492] : memref<1000000x64xf32, #tpu.memory_space<hbm>> -> memref<1000000x64xf32, #tpu.memory_space<hbm>>
        %dma_start3A_494 = tpu.memref_slice %arg8[%dma_start3A_483] : memref<8x!tpu.dma_semaphore, #tpu.memory_space<semaphore_mem>> -> memref<1x!tpu.dma_semaphore, #tpu.memory_space<semaphore_mem>>
        %dma_start3A_495 = tpu.memref_squeeze %dma_start3A_494 : memref<1x!tpu.dma_semaphore, #tpu.memory_space<semaphore_mem>> -> memref<!tpu.dma_semaphore, #tpu.memory_space<semaphore_mem>>
        tpu.enqueue_indirect_dma source(%dma_start3A_493 : memref<1000000x64xf32, #tpu.memory_space<hbm>>) target(%dma_start3A_487 : memref<100x64xf32, #tpu.memory_space<vmem>>) offsets(%dma_start3A_490 : memref<100xi32, #tpu.memory_space<vmem>>) semaphore(%dma_start3A_495 : memref<!tpu.dma_semaphore, #tpu.memory_space<semaphore_mem>>)
        %mul3A_496 = arith.constant 2 : i32
        %mul3A_497 = arith.muli %add3A_477, %mul3A_496 : i32
        %add3A_498 = arith.constant 1 : i32
        %add3A_499 = arith.addi %mul3A_497, %add3A_498 : i32
        %dma_start3A_500 = arith.constant 1 : i32
        %dma_start3A_501 = arith.constant 1 : i32
        %dma_start3A_502 = arith.constant 0 : i32
        %dma_start3A_503 = arith.constant 0 : i32
        %dma_start3A_504 = tpu.memref_slice %arg6[%dma_start3A_500, %dma_start3A_502, %dma_start3A_503] : memref<8x100x64xf32, #tpu.memory_space<vmem>> -> memref<1x100x64xf32, #tpu.memory_space<vmem>>
        %dma_start3A_505 = tpu.memref_squeeze %dma_start3A_504 : memref<1x100x64xf32, #tpu.memory_space<vmem>> -> memref<100x64xf32, #tpu.memory_space<vmem>>
        %dma_start3A_506 = arith.constant 0 : i32
        %dma_start3A_507 = tpu.memref_slice %arg5[%add3A_499, %dma_start3A_506] : memref<256x100xi32, #tpu.memory_space<vmem>> -> memref<1x100xi32, #tpu.memory_space<vmem>>
        %dma_start3A_508 = tpu.memref_squeeze %dma_start3A_507 : memref<1x100xi32, #tpu.memory_space<vmem>> -> memref<100xi32, #tpu.memory_space<vmem>>
        %dma_start3A_509 = arith.constant 0 : i32
        %dma_start3A_510 = arith.constant 0 : i32
        %dma_start3A_511 = tpu.memref_slice %arg3[%dma_start3A_509, %dma_start3A_510] : memref<1000000x64xf32, #tpu.memory_space<hbm>> -> memref<1000000x64xf32, #tpu.memory_space<hbm>>
        %dma_start3A_512 = tpu.memref_slice %arg8[%dma_start3A_501] : memref<8x!tpu.dma_semaphore, #tpu.memory_space<semaphore_mem>> -> memref<1x!tpu.dma_semaphore, #tpu.memory_space<semaphore_mem>>
        %dma_start3A_513 = tpu.memref_squeeze %dma_start3A_512 : memref<1x!tpu.dma_semaphore, #tpu.memory_space<semaphore_mem>> -> memref<!tpu.dma_semaphore, #tpu.memory_space<semaphore_mem>>
        tpu.enqueue_indirect_dma source(%dma_start3A_511 : memref<1000000x64xf32, #tpu.memory_space<hbm>>) target(%dma_start3A_505 : memref<100x64xf32, #tpu.memory_space<vmem>>) offsets(%dma_start3A_508 : memref<100xi32, #tpu.memory_space<vmem>>) semaphore(%dma_start3A_513 : memref<!tpu.dma_semaphore, #tpu.memory_space<semaphore_mem>>)
      } else {
      }
      %add3A_214 = arith.constant 1 : i32
      %add3A_215 = arith.addi %mul3A_132, %add3A_214 : i32
      %broadcast_in_dim3A_216 = arith.constant 0.000000e+00 : f32
      %broadcast_in_dim3A_217 = vector.broadcast %broadcast_in_dim3A_216 : f32 to vector<16xf32>
      %broadcast_in_dim3A_218 = arith.constant 0.000000e+00 : f32
      %broadcast_in_dim3A_219 = vector.broadcast %broadcast_in_dim3A_218 : f32 to vector<16xf32>
      %broadcast_in_dim3A_220 = arith.constant 0.000000e+00 : f32
      %broadcast_in_dim3A_221 = vector.broadcast %broadcast_in_dim3A_220 : f32 to vector<16xf32>
      %broadcast_in_dim3A_222 = arith.constant 0.000000e+00 : f32
      %broadcast_in_dim3A_223 = vector.broadcast %broadcast_in_dim3A_222 : f32 to vector<16xf32>
      %dma_wait3A_224 = arith.constant 0 : i32
      %dma_wait3A_225 = arith.constant 2 : i32
      %dma_wait3A_226 = arith.constant 2 : i32
      %dma_wait3A_227 = arith.constant 0 : i32
      %dma_wait3A_228 = arith.constant 0 : i32
      %dma_wait3A_229 = tpu.memref_slice %arg6[%dma_wait3A_225, %dma_wait3A_227, %dma_wait3A_228] : memref<8x100x64xf32, #tpu.memory_space<vmem>> -> memref<1x100x64xf32, #tpu.memory_space<vmem>>
      %dma_wait3A_230 = tpu.memref_squeeze %dma_wait3A_229 : memref<1x100x64xf32, #tpu.memory_space<vmem>> -> memref<100x64xf32, #tpu.memory_space<vmem>>
      %dma_wait3A_231 = arith.constant 0 : i32
      %dma_wait3A_232 = tpu.memref_slice %arg5[%dma_wait3A_224, %dma_wait3A_231] : memref<256x100xi32, #tpu.memory_space<vmem>> -> memref<1x100xi32, #tpu.memory_space<vmem>>
      %dma_wait3A_233 = tpu.memref_squeeze %dma_wait3A_232 : memref<1x100xi32, #tpu.memory_space<vmem>> -> memref<100xi32, #tpu.memory_space<vmem>>
      %dma_wait3A_234 = arith.constant 0 : i32
      %dma_wait3A_235 = arith.constant 0 : i32
      %dma_wait3A_236 = tpu.memref_slice %arg3[%dma_wait3A_234, %dma_wait3A_235] : memref<1000000x64xf32, #tpu.memory_space<hbm>> -> memref<1000000x64xf32, #tpu.memory_space<hbm>>
      %dma_wait3A_237 = tpu.memref_slice %arg8[%dma_wait3A_226] : memref<8x!tpu.dma_semaphore, #tpu.memory_space<semaphore_mem>> -> memref<1x!tpu.dma_semaphore, #tpu.memory_space<semaphore_mem>>
      %dma_wait3A_238 = tpu.memref_squeeze %dma_wait3A_237 : memref<1x!tpu.dma_semaphore, #tpu.memory_space<semaphore_mem>> -> memref<!tpu.dma_semaphore, #tpu.memory_space<semaphore_mem>>
      tpu.wait_indirect_dma semaphore(%dma_wait3A_238 : memref<!tpu.dma_semaphore, #tpu.memory_space<semaphore_mem>>) src(%dma_wait3A_236 : memref<1000000x64xf32, #tpu.memory_space<hbm>>) dst(%dma_wait3A_230 : memref<100x64xf32, #tpu.memory_space<vmem>>)
      %scan3A_239 = arith.constant 0 : i32
      %scan3A_240 = arith.constant 100 : i32
      %scan3A_241 = arith.addi %scan3A_239, %scan3A_240 : i32
      %scan3A_242 = arith.constant 2 : i32
      %scan3A_243:4 = scf.for %scan3A_476 = %scan3A_239 to %scan3A_241 step %scan3A_242 iter_args(%scan3A_477 = %broadcast_in_dim3A_217, %scan3A_478 = %broadcast_in_dim3A_219, %scan3A_479 = %broadcast_in_dim3A_221, %scan3A_480 = %broadcast_in_dim3A_223) -> (vector<16xf32>, vector<16xf32>, vector<16xf32>, vector<16xf32>)  : i32 {
        %get3A = arith.constant 2 : i32
        %get3A_481 = arith.index_cast %get3A : i32 to index
        %get3A_482 = arith.index_cast %scan3A_476 : i32 to index
        %get3A_483 = arith.constant 0 : index
        %get3A_484 = tpu.vector_load %arg6[%get3A_481, %get3A_482, %get3A_483] {strides = array<i32>} : memref<8x100x64xf32, #tpu.memory_space<vmem>>, vector<1x1x16xf32>,
        %get3A_485 = vector.shape_cast %get3A_484 : vector<1x1x16xf32> to vector<16xf32>
        %add3A_486 = arith.addf %scan3A_477, %get3A_485 : vector<16xf32>
        %get3A_487 = arith.constant 2 : i32
        %get3A_488 = arith.index_cast %get3A_487 : i32 to index
        %get3A_489 = arith.index_cast %scan3A_476 : i32 to index
        %get3A_490 = arith.constant 16 : index
        %get3A_491 = tpu.vector_load %arg6[%get3A_488, %get3A_489, %get3A_490] {strides = array<i32>} : memref<8x100x64xf32, #tpu.memory_space<vmem>>, vector<1x1x16xf32>,
        %get3A_492 = vector.shape_cast %get3A_491 : vector<1x1x16xf32> to vector<16xf32>
        %add3A_493 = arith.addf %scan3A_478, %get3A_492 : vector<16xf32>
        %get3A_494 = arith.constant 2 : i32
        %get3A_495 = arith.index_cast %get3A_494 : i32 to index
        %get3A_496 = arith.index_cast %scan3A_476 : i32 to index
        %get3A_497 = arith.constant 32 : index
        %get3A_498 = tpu.vector_load %arg6[%get3A_495, %get3A_496, %get3A_497] {strides = array<i32>} : memref<8x100x64xf32, #tpu.memory_space<vmem>>, vector<1x1x16xf32>,
        %get3A_499 = vector.shape_cast %get3A_498 : vector<1x1x16xf32> to vector<16xf32>
        %add3A_500 = arith.addf %scan3A_479, %get3A_499 : vector<16xf32>
        %get3A_501 = arith.constant 2 : i32
        %get3A_502 = arith.index_cast %get3A_501 : i32 to index
        %get3A_503 = arith.index_cast %scan3A_476 : i32 to index
        %get3A_504 = arith.constant 48 : index
        %get3A_505 = tpu.vector_load %arg6[%get3A_502, %get3A_503, %get3A_504] {strides = array<i32>} : memref<8x100x64xf32, #tpu.memory_space<vmem>>, vector<1x1x16xf32>,
        %get3A_506 = vector.shape_cast %get3A_505 : vector<1x1x16xf32> to vector<16xf32>
        %add3A_507 = arith.addf %scan3A_480, %get3A_506 : vector<16xf32>
        %scan3A_508 = arith.constant 1 : i32
        %scan3A_509 = arith.addi %scan3A_476, %scan3A_508 : i32
        %get3A_510 = arith.constant 2 : i32
        %get3A_511 = arith.index_cast %get3A_510 : i32 to index
        %get3A_512 = arith.index_cast %scan3A_509 : i32 to index
        %get3A_513 = arith.constant 0 : index
        %get3A_514 = tpu.vector_load %arg6[%get3A_511, %get3A_512, %get3A_513] {strides = array<i32>} : memref<8x100x64xf32, #tpu.memory_space<vmem>>, vector<1x1x16xf32>,
        %get3A_515 = vector.shape_cast %get3A_514 : vector<1x1x16xf32> to vector<16xf32>
        %add3A_516 = arith.addf %add3A_486, %get3A_515 : vector<16xf32>
        %get3A_517 = arith.constant 2 : i32
        %get3A_518 = arith.index_cast %get3A_517 : i32 to index
        %get3A_519 = arith.index_cast %scan3A_509 : i32 to index
        %get3A_520 = arith.constant 16 : index
        %get3A_521 = tpu.vector_load %arg6[%get3A_518, %get3A_519, %get3A_520] {strides = array<i32>} : memref<8x100x64xf32, #tpu.memory_space<vmem>>, vector<1x1x16xf32>,
        %get3A_522 = vector.shape_cast %get3A_521 : vector<1x1x16xf32> to vector<16xf32>
        %add3A_523 = arith.addf %add3A_493, %get3A_522 : vector<16xf32>
        %get3A_524 = arith.constant 2 : i32
        %get3A_525 = arith.index_cast %get3A_524 : i32 to index
        %get3A_526 = arith.index_cast %scan3A_509 : i32 to index
        %get3A_527 = arith.constant 32 : index
        %get3A_528 = tpu.vector_load %arg6[%get3A_525, %get3A_526, %get3A_527] {strides = array<i32>} : memref<8x100x64xf32, #tpu.memory_space<vmem>>, vector<1x1x16xf32>,
        %get3A_529 = vector.shape_cast %get3A_528 : vector<1x1x16xf32> to vector<16xf32>
        %add3A_530 = arith.addf %add3A_500, %get3A_529 : vector<16xf32>
        %get3A_531 = arith.constant 2 : i32
        %get3A_532 = arith.index_cast %get3A_531 : i32 to index
        %get3A_533 = arith.index_cast %scan3A_509 : i32 to index
        %get3A_534 = arith.constant 48 : index
        %get3A_535 = tpu.vector_load %arg6[%get3A_532, %get3A_533, %get3A_534] {strides = array<i32>} : memref<8x100x64xf32, #tpu.memory_space<vmem>>, vector<1x1x16xf32>,
        %get3A_536 = vector.shape_cast %get3A_535 : vector<1x1x16xf32> to vector<16xf32>
        %add3A_537 = arith.addf %add3A_507, %get3A_536 : vector<16xf32>
        scf.yield %add3A_516, %add3A_523, %add3A_530, %add3A_537 : vector<16xf32>, vector<16xf32>, vector<16xf32>, vector<16xf32>
      }
      %scan3A_244 = arith.constant 100 : i32
      %dma_wait3A_245 = arith.constant 0 : i32
      %dma_wait3A_246 = arith.constant 3 : i32
      %dma_wait3A_247 = arith.constant 3 : i32
      %dma_wait3A_248 = arith.constant 0 : i32
      %dma_wait3A_249 = arith.constant 0 : i32
      %dma_wait3A_250 = tpu.memref_slice %arg6[%dma_wait3A_246, %dma_wait3A_248, %dma_wait3A_249] : memref<8x100x64xf32, #tpu.memory_space<vmem>> -> memref<1x100x64xf32, #tpu.memory_space<vmem>>
      %dma_wait3A_251 = tpu.memref_squeeze %dma_wait3A_250 : memref<1x100x64xf32, #tpu.memory_space<vmem>> -> memref<100x64xf32, #tpu.memory_space<vmem>>
      %dma_wait3A_252 = arith.constant 0 : i32
      %dma_wait3A_253 = tpu.memref_slice %arg5[%dma_wait3A_245, %dma_wait3A_252] : memref<256x100xi32, #tpu.memory_space<vmem>> -> memref<1x100xi32, #tpu.memory_space<vmem>>
      %dma_wait3A_254 = tpu.memref_squeeze %dma_wait3A_253 : memref<1x100xi32, #tpu.memory_space<vmem>> -> memref<100xi32, #tpu.memory_space<vmem>>
      %dma_wait3A_255 = arith.constant 0 : i32
      %dma_wait3A_256 = arith.constant 0 : i32
      %dma_wait3A_257 = tpu.memref_slice %arg3[%dma_wait3A_255, %dma_wait3A_256] : memref<1000000x64xf32, #tpu.memory_space<hbm>> -> memref<1000000x64xf32, #tpu.memory_space<hbm>>
      %dma_wait3A_258 = tpu.memref_slice %arg8[%dma_wait3A_247] : memref<8x!tpu.dma_semaphore, #tpu.memory_space<semaphore_mem>> -> memref<1x!tpu.dma_semaphore, #tpu.memory_space<semaphore_mem>>
      %dma_wait3A_259 = tpu.memref_squeeze %dma_wait3A_258 : memref<1x!tpu.dma_semaphore, #tpu.memory_space<semaphore_mem>> -> memref<!tpu.dma_semaphore, #tpu.memory_space<semaphore_mem>>
      tpu.wait_indirect_dma semaphore(%dma_wait3A_259 : memref<!tpu.dma_semaphore, #tpu.memory_space<semaphore_mem>>) src(%dma_wait3A_257 : memref<1000000x64xf32, #tpu.memory_space<hbm>>) dst(%dma_wait3A_251 : memref<100x64xf32, #tpu.memory_space<vmem>>)
      %scan3A_260 = arith.constant 0 : i32
      %scan3A_261 = arith.constant 100 : i32
      %scan3A_262 = arith.addi %scan3A_260, %scan3A_261 : i32
      %scan3A_263 = arith.constant 2 : i32
      %scan3A_264:4 = scf.for %scan3A_476 = %scan3A_260 to %scan3A_262 step %scan3A_263 iter_args(%scan3A_477 = %scan3A_243#0, %scan3A_478 = %scan3A_243#1, %scan3A_479 = %scan3A_243#2, %scan3A_480 = %scan3A_243#3) -> (vector<16xf32>, vector<16xf32>, vector<16xf32>, vector<16xf32>)  : i32 {
        %get3A = arith.constant 3 : i32
        %get3A_481 = arith.index_cast %get3A : i32 to index
        %get3A_482 = arith.index_cast %scan3A_476 : i32 to index
        %get3A_483 = arith.constant 0 : index
        %get3A_484 = tpu.vector_load %arg6[%get3A_481, %get3A_482, %get3A_483] {strides = array<i32>} : memref<8x100x64xf32, #tpu.memory_space<vmem>>, vector<1x1x16xf32>,
        %get3A_485 = vector.shape_cast %get3A_484 : vector<1x1x16xf32> to vector<16xf32>
        %add3A_486 = arith.addf %scan3A_477, %get3A_485 : vector<16xf32>
        %get3A_487 = arith.constant 3 : i32
        %get3A_488 = arith.index_cast %get3A_487 : i32 to index
        %get3A_489 = arith.index_cast %scan3A_476 : i32 to index
        %get3A_490 = arith.constant 16 : index
        %get3A_491 = tpu.vector_load %arg6[%get3A_488, %get3A_489, %get3A_490] {strides = array<i32>} : memref<8x100x64xf32, #tpu.memory_space<vmem>>, vector<1x1x16xf32>,
        %get3A_492 = vector.shape_cast %get3A_491 : vector<1x1x16xf32> to vector<16xf32>
        %add3A_493 = arith.addf %scan3A_478, %get3A_492 : vector<16xf32>
        %get3A_494 = arith.constant 3 : i32
        %get3A_495 = arith.index_cast %get3A_494 : i32 to index
        %get3A_496 = arith.index_cast %scan3A_476 : i32 to index
        %get3A_497 = arith.constant 32 : index
        %get3A_498 = tpu.vector_load %arg6[%get3A_495, %get3A_496, %get3A_497] {strides = array<i32>} : memref<8x100x64xf32, #tpu.memory_space<vmem>>, vector<1x1x16xf32>,
        %get3A_499 = vector.shape_cast %get3A_498 : vector<1x1x16xf32> to vector<16xf32>
        %add3A_500 = arith.addf %scan3A_479, %get3A_499 : vector<16xf32>
        %get3A_501 = arith.constant 3 : i32
        %get3A_502 = arith.index_cast %get3A_501 : i32 to index
        %get3A_503 = arith.index_cast %scan3A_476 : i32 to index
        %get3A_504 = arith.constant 48 : index
        %get3A_505 = tpu.vector_load %arg6[%get3A_502, %get3A_503, %get3A_504] {strides = array<i32>} : memref<8x100x64xf32, #tpu.memory_space<vmem>>, vector<1x1x16xf32>,
        %get3A_506 = vector.shape_cast %get3A_505 : vector<1x1x16xf32> to vector<16xf32>
        %add3A_507 = arith.addf %scan3A_480, %get3A_506 : vector<16xf32>
        %scan3A_508 = arith.constant 1 : i32
        %scan3A_509 = arith.addi %scan3A_476, %scan3A_508 : i32
        %get3A_510 = arith.constant 3 : i32
        %get3A_511 = arith.index_cast %get3A_510 : i32 to index
        %get3A_512 = arith.index_cast %scan3A_509 : i32 to index
        %get3A_513 = arith.constant 0 : index
        %get3A_514 = tpu.vector_load %arg6[%get3A_511, %get3A_512, %get3A_513] {strides = array<i32>} : memref<8x100x64xf32, #tpu.memory_space<vmem>>, vector<1x1x16xf32>,
        %get3A_515 = vector.shape_cast %get3A_514 : vector<1x1x16xf32> to vector<16xf32>
        %add3A_516 = arith.addf %add3A_486, %get3A_515 : vector<16xf32>
        %get3A_517 = arith.constant 3 : i32
        %get3A_518 = arith.index_cast %get3A_517 : i32 to index
        %get3A_519 = arith.index_cast %scan3A_509 : i32 to index
        %get3A_520 = arith.constant 16 : index
        %get3A_521 = tpu.vector_load %arg6[%get3A_518, %get3A_519, %get3A_520] {strides = array<i32>} : memref<8x100x64xf32, #tpu.memory_space<vmem>>, vector<1x1x16xf32>,
        %get3A_522 = vector.shape_cast %get3A_521 : vector<1x1x16xf32> to vector<16xf32>
        %add3A_523 = arith.addf %add3A_493, %get3A_522 : vector<16xf32>
        %get3A_524 = arith.constant 3 : i32
        %get3A_525 = arith.index_cast %get3A_524 : i32 to index
        %get3A_526 = arith.index_cast %scan3A_509 : i32 to index
        %get3A_527 = arith.constant 32 : index
        %get3A_528 = tpu.vector_load %arg6[%get3A_525, %get3A_526, %get3A_527] {strides = array<i32>} : memref<8x100x64xf32, #tpu.memory_space<vmem>>, vector<1x1x16xf32>,
        %get3A_529 = vector.shape_cast %get3A_528 : vector<1x1x16xf32> to vector<16xf32>
        %add3A_530 = arith.addf %add3A_500, %get3A_529 : vector<16xf32>
        %get3A_531 = arith.constant 3 : i32
        %get3A_532 = arith.index_cast %get3A_531 : i32 to index
        %get3A_533 = arith.index_cast %scan3A_509 : i32 to index
        %get3A_534 = arith.constant 48 : index
        %get3A_535 = tpu.vector_load %arg6[%get3A_532, %get3A_533, %get3A_534] {strides = array<i32>} : memref<8x100x64xf32, #tpu.memory_space<vmem>>, vector<1x1x16xf32>,
        %get3A_536 = vector.shape_cast %get3A_535 : vector<1x1x16xf32> to vector<16xf32>
        %add3A_537 = arith.addf %add3A_507, %get3A_536 : vector<16xf32>
        scf.yield %add3A_516, %add3A_523, %add3A_530, %add3A_537 : vector<16xf32>, vector<16xf32>, vector<16xf32>, vector<16xf32>
      }
      %scan3A_265 = arith.constant 100 : i32
      %mul3A_266 = vector.broadcast %scan3A : f32 to vector<16xf32>
      %mul3A_267 = arith.mulf %scan3A_264#0, %mul3A_266 : vector<16xf32>
      %swap3A_268 = arith.index_cast %add3A_215 : i32 to index
      %swap3A_269 = arith.constant 0 : index
      %swap3A_270 = tpu.vector_load %arg7[%swap3A_268, %swap3A_269] {strides = array<i32>} : memref<128x64xf32, #tpu.memory_space<vmem>>, vector<1x16xf32>,
      %swap3A_271 = vector.shape_cast %swap3A_270 : vector<1x16xf32> to vector<16xf32>
      %swap3A_272 = vector.shape_cast %mul3A_267 : vector<16xf32> to vector<1x16xf32>
      tpu.vector_store %arg7[%swap3A_268, %swap3A_269], %swap3A_272 {strides = array<i32>} : memref<128x64xf32, #tpu.memory_space<vmem>>, vector<1x16xf32>,
      %mul3A_273 = vector.broadcast %scan3A : f32 to vector<16xf32>
      %mul3A_274 = arith.mulf %scan3A_264#1, %mul3A_273 : vector<16xf32>
      %swap3A_275 = arith.index_cast %add3A_215 : i32 to index
      %swap3A_276 = arith.constant 16 : index
      %swap3A_277 = tpu.vector_load %arg7[%swap3A_275, %swap3A_276] {strides = array<i32>} : memref<128x64xf32, #tpu.memory_space<vmem>>, vector<1x16xf32>,
      %swap3A_278 = vector.shape_cast %swap3A_277 : vector<1x16xf32> to vector<16xf32>
      %swap3A_279 = vector.shape_cast %mul3A_274 : vector<16xf32> to vector<1x16xf32>
      tpu.vector_store %arg7[%swap3A_275, %swap3A_276], %swap3A_279 {strides = array<i32>} : memref<128x64xf32, #tpu.memory_space<vmem>>, vector<1x16xf32>,
      %mul3A_280 = vector.broadcast %scan3A : f32 to vector<16xf32>
      %mul3A_281 = arith.mulf %scan3A_264#2, %mul3A_280 : vector<16xf32>
      %swap3A_282 = arith.index_cast %add3A_215 : i32 to index
      %swap3A_283 = arith.constant 32 : index
      %swap3A_284 = tpu.vector_load %arg7[%swap3A_282, %swap3A_283] {strides = array<i32>} : memref<128x64xf32, #tpu.memory_space<vmem>>, vector<1x16xf32>,
      %swap3A_285 = vector.shape_cast %swap3A_284 : vector<1x16xf32> to vector<16xf32>
      %swap3A_286 = vector.shape_cast %mul3A_281 : vector<16xf32> to vector<1x16xf32>
      tpu.vector_store %arg7[%swap3A_282, %swap3A_283], %swap3A_286 {strides = array<i32>} : memref<128x64xf32, #tpu.memory_space<vmem>>, vector<1x16xf32>,
      %mul3A_287 = vector.broadcast %scan3A : f32 to vector<16xf32>
      %mul3A_288 = arith.mulf %scan3A_264#3, %mul3A_287 : vector<16xf32>
      %swap3A_289 = arith.index_cast %add3A_215 : i32 to index
      %swap3A_290 = arith.constant 48 : index
      %swap3A_291 = tpu.vector_load %arg7[%swap3A_289, %swap3A_290] {strides = array<i32>} : memref<128x64xf32, #tpu.memory_space<vmem>>, vector<1x16xf32>,
      %swap3A_292 = vector.shape_cast %swap3A_291 : vector<1x16xf32> to vector<16xf32>
      %swap3A_293 = vector.shape_cast %mul3A_288 : vector<16xf32> to vector<1x16xf32>
      tpu.vector_store %arg7[%swap3A_289, %swap3A_290], %swap3A_293 {strides = array<i32>} : memref<128x64xf32, #tpu.memory_space<vmem>>, vector<1x16xf32>,
      %add3A_294 = arith.constant 4 : i32
      %add3A_295 = arith.addi %add3A_215, %add3A_294 : i32
      %lt3A_296 = arith.constant 128 : i32
      %lt3A_297 = arith.cmpi slt, %add3A_295, %lt3A_296 : i32
      %convert_element_type3A_298 = arith.extui %lt3A_297 : i1 to i32
      %cond3A_299 = arith.constant 0 : i32
      %cond3A_300 = arith.cmpi ne, %convert_element_type3A_298, %cond3A_299 : i32
      scf.if %cond3A_300 {
        %add3A_476 = arith.constant 4 : i32
        %add3A_477 = arith.addi %add3A_215, %add3A_476 : i32
        %mul3A_478 = arith.constant 2 : i32
        %mul3A_479 = arith.muli %add3A_477, %mul3A_478 : i32
        %add3A_480 = arith.constant 0 : i32
        %add3A_481 = arith.addi %mul3A_479, %add3A_480 : i32
        %dma_start3A_482 = arith.constant 2 : i32
        %dma_start3A_483 = arith.constant 2 : i32
        %dma_start3A_484 = arith.constant 0 : i32
        %dma_start3A_485 = arith.constant 0 : i32
        %dma_start3A_486 = tpu.memref_slice %arg6[%dma_start3A_482, %dma_start3A_484, %dma_start3A_485] : memref<8x100x64xf32, #tpu.memory_space<vmem>> -> memref<1x100x64xf32, #tpu.memory_space<vmem>>
        %dma_start3A_487 = tpu.memref_squeeze %dma_start3A_486 : memref<1x100x64xf32, #tpu.memory_space<vmem>> -> memref<100x64xf32, #tpu.memory_space<vmem>>
        %dma_start3A_488 = arith.constant 0 : i32
        %dma_start3A_489 = tpu.memref_slice %arg5[%add3A_481, %dma_start3A_488] : memref<256x100xi32, #tpu.memory_space<vmem>> -> memref<1x100xi32, #tpu.memory_space<vmem>>
        %dma_start3A_490 = tpu.memref_squeeze %dma_start3A_489 : memref<1x100xi32, #tpu.memory_space<vmem>> -> memref<100xi32, #tpu.memory_space<vmem>>
        %dma_start3A_491 = arith.constant 0 : i32
        %dma_start3A_492 = arith.constant 0 : i32
        %dma_start3A_493 = tpu.memref_slice %arg3[%dma_start3A_491, %dma_start3A_492] : memref<1000000x64xf32, #tpu.memory_space<hbm>> -> memref<1000000x64xf32, #tpu.memory_space<hbm>>
        %dma_start3A_494 = tpu.memref_slice %arg8[%dma_start3A_483] : memref<8x!tpu.dma_semaphore, #tpu.memory_space<semaphore_mem>> -> memref<1x!tpu.dma_semaphore, #tpu.memory_space<semaphore_mem>>
        %dma_start3A_495 = tpu.memref_squeeze %dma_start3A_494 : memref<1x!tpu.dma_semaphore, #tpu.memory_space<semaphore_mem>> -> memref<!tpu.dma_semaphore, #tpu.memory_space<semaphore_mem>>
        tpu.enqueue_indirect_dma source(%dma_start3A_493 : memref<1000000x64xf32, #tpu.memory_space<hbm>>) target(%dma_start3A_487 : memref<100x64xf32, #tpu.memory_space<vmem>>) offsets(%dma_start3A_490 : memref<100xi32, #tpu.memory_space<vmem>>) semaphore(%dma_start3A_495 : memref<!tpu.dma_semaphore, #tpu.memory_space<semaphore_mem>>)
        %mul3A_496 = arith.constant 2 : i32
        %mul3A_497 = arith.muli %add3A_477, %mul3A_496 : i32
        %add3A_498 = arith.constant 1 : i32
        %add3A_499 = arith.addi %mul3A_497, %add3A_498 : i32
        %dma_start3A_500 = arith.constant 3 : i32
        %dma_start3A_501 = arith.constant 3 : i32
        %dma_start3A_502 = arith.constant 0 : i32
        %dma_start3A_503 = arith.constant 0 : i32
        %dma_start3A_504 = tpu.memref_slice %arg6[%dma_start3A_500, %dma_start3A_502, %dma_start3A_503] : memref<8x100x64xf32, #tpu.memory_space<vmem>> -> memref<1x100x64xf32, #tpu.memory_space<vmem>>
        %dma_start3A_505 = tpu.memref_squeeze %dma_start3A_504 : memref<1x100x64xf32, #tpu.memory_space<vmem>> -> memref<100x64xf32, #tpu.memory_space<vmem>>
        %dma_start3A_506 = arith.constant 0 : i32
        %dma_start3A_507 = tpu.memref_slice %arg5[%add3A_499, %dma_start3A_506] : memref<256x100xi32, #tpu.memory_space<vmem>> -> memref<1x100xi32, #tpu.memory_space<vmem>>
        %dma_start3A_508 = tpu.memref_squeeze %dma_start3A_507 : memref<1x100xi32, #tpu.memory_space<vmem>> -> memref<100xi32, #tpu.memory_space<vmem>>
        %dma_start3A_509 = arith.constant 0 : i32
        %dma_start3A_510 = arith.constant 0 : i32
        %dma_start3A_511 = tpu.memref_slice %arg3[%dma_start3A_509, %dma_start3A_510] : memref<1000000x64xf32, #tpu.memory_space<hbm>> -> memref<1000000x64xf32, #tpu.memory_space<hbm>>
        %dma_start3A_512 = tpu.memref_slice %arg8[%dma_start3A_501] : memref<8x!tpu.dma_semaphore, #tpu.memory_space<semaphore_mem>> -> memref<1x!tpu.dma_semaphore, #tpu.memory_space<semaphore_mem>>
        %dma_start3A_513 = tpu.memref_squeeze %dma_start3A_512 : memref<1x!tpu.dma_semaphore, #tpu.memory_space<semaphore_mem>> -> memref<!tpu.dma_semaphore, #tpu.memory_space<semaphore_mem>>
        tpu.enqueue_indirect_dma source(%dma_start3A_511 : memref<1000000x64xf32, #tpu.memory_space<hbm>>) target(%dma_start3A_505 : memref<100x64xf32, #tpu.memory_space<vmem>>) offsets(%dma_start3A_508 : memref<100xi32, #tpu.memory_space<vmem>>) semaphore(%dma_start3A_513 : memref<!tpu.dma_semaphore, #tpu.memory_space<semaphore_mem>>)
      } else {
      }
      %add3A_301 = arith.constant 2 : i32
      %add3A_302 = arith.addi %mul3A_132, %add3A_301 : i32
      %broadcast_in_dim3A_303 = arith.constant 0.000000e+00 : f32
      %broadcast_in_dim3A_304 = vector.broadcast %broadcast_in_dim3A_303 : f32 to vector<16xf32>
      %broadcast_in_dim3A_305 = arith.constant 0.000000e+00 : f32
      %broadcast_in_dim3A_306 = vector.broadcast %broadcast_in_dim3A_305 : f32 to vector<16xf32>
      %broadcast_in_dim3A_307 = arith.constant 0.000000e+00 : f32
      %broadcast_in_dim3A_308 = vector.broadcast %broadcast_in_dim3A_307 : f32 to vector<16xf32>
      %broadcast_in_dim3A_309 = arith.constant 0.000000e+00 : f32
      %broadcast_in_dim3A_310 = vector.broadcast %broadcast_in_dim3A_309 : f32 to vector<16xf32>
      %dma_wait3A_311 = arith.constant 0 : i32
      %dma_wait3A_312 = arith.constant 4 : i32
      %dma_wait3A_313 = arith.constant 4 : i32
      %dma_wait3A_314 = arith.constant 0 : i32
      %dma_wait3A_315 = arith.constant 0 : i32
      %dma_wait3A_316 = tpu.memref_slice %arg6[%dma_wait3A_312, %dma_wait3A_314, %dma_wait3A_315] : memref<8x100x64xf32, #tpu.memory_space<vmem>> -> memref<1x100x64xf32, #tpu.memory_space<vmem>>
      %dma_wait3A_317 = tpu.memref_squeeze %dma_wait3A_316 : memref<1x100x64xf32, #tpu.memory_space<vmem>> -> memref<100x64xf32, #tpu.memory_space<vmem>>
      %dma_wait3A_318 = arith.constant 0 : i32
      %dma_wait3A_319 = tpu.memref_slice %arg5[%dma_wait3A_311, %dma_wait3A_318] : memref<256x100xi32, #tpu.memory_space<vmem>> -> memref<1x100xi32, #tpu.memory_space<vmem>>
      %dma_wait3A_320 = tpu.memref_squeeze %dma_wait3A_319 : memref<1x100xi32, #tpu.memory_space<vmem>> -> memref<100xi32, #tpu.memory_space<vmem>>
      %dma_wait3A_321 = arith.constant 0 : i32
      %dma_wait3A_322 = arith.constant 0 : i32
      %dma_wait3A_323 = tpu.memref_slice %arg3[%dma_wait3A_321, %dma_wait3A_322] : memref<1000000x64xf32, #tpu.memory_space<hbm>> -> memref<1000000x64xf32, #tpu.memory_space<hbm>>
      %dma_wait3A_324 = tpu.memref_slice %arg8[%dma_wait3A_313] : memref<8x!tpu.dma_semaphore, #tpu.memory_space<semaphore_mem>> -> memref<1x!tpu.dma_semaphore, #tpu.memory_space<semaphore_mem>>
      %dma_wait3A_325 = tpu.memref_squeeze %dma_wait3A_324 : memref<1x!tpu.dma_semaphore, #tpu.memory_space<semaphore_mem>> -> memref<!tpu.dma_semaphore, #tpu.memory_space<semaphore_mem>>
      tpu.wait_indirect_dma semaphore(%dma_wait3A_325 : memref<!tpu.dma_semaphore, #tpu.memory_space<semaphore_mem>>) src(%dma_wait3A_323 : memref<1000000x64xf32, #tpu.memory_space<hbm>>) dst(%dma_wait3A_317 : memref<100x64xf32, #tpu.memory_space<vmem>>)
      %scan3A_326 = arith.constant 0 : i32
      %scan3A_327 = arith.constant 100 : i32
      %scan3A_328 = arith.addi %scan3A_326, %scan3A_327 : i32
      %scan3A_329 = arith.constant 2 : i32
      %scan3A_330:4 = scf.for %scan3A_476 = %scan3A_326 to %scan3A_328 step %scan3A_329 iter_args(%scan3A_477 = %broadcast_in_dim3A_304, %scan3A_478 = %broadcast_in_dim3A_306, %scan3A_479 = %broadcast_in_dim3A_308, %scan3A_480 = %broadcast_in_dim3A_310) -> (vector<16xf32>, vector<16xf32>, vector<16xf32>, vector<16xf32>)  : i32 {
        %get3A = arith.constant 4 : i32
        %get3A_481 = arith.index_cast %get3A : i32 to index
        %get3A_482 = arith.index_cast %scan3A_476 : i32 to index
        %get3A_483 = arith.constant 0 : index
        %get3A_484 = tpu.vector_load %arg6[%get3A_481, %get3A_482, %get3A_483] {strides = array<i32>} : memref<8x100x64xf32, #tpu.memory_space<vmem>>, vector<1x1x16xf32>,
        %get3A_485 = vector.shape_cast %get3A_484 : vector<1x1x16xf32> to vector<16xf32>
        %add3A_486 = arith.addf %scan3A_477, %get3A_485 : vector<16xf32>
        %get3A_487 = arith.constant 4 : i32
        %get3A_488 = arith.index_cast %get3A_487 : i32 to index
        %get3A_489 = arith.index_cast %scan3A_476 : i32 to index
        %get3A_490 = arith.constant 16 : index
        %get3A_491 = tpu.vector_load %arg6[%get3A_488, %get3A_489, %get3A_490] {strides = array<i32>} : memref<8x100x64xf32, #tpu.memory_space<vmem>>, vector<1x1x16xf32>,
        %get3A_492 = vector.shape_cast %get3A_491 : vector<1x1x16xf32> to vector<16xf32>
        %add3A_493 = arith.addf %scan3A_478, %get3A_492 : vector<16xf32>
        %get3A_494 = arith.constant 4 : i32
        %get3A_495 = arith.index_cast %get3A_494 : i32 to index
        %get3A_496 = arith.index_cast %scan3A_476 : i32 to index
        %get3A_497 = arith.constant 32 : index
        %get3A_498 = tpu.vector_load %arg6[%get3A_495, %get3A_496, %get3A_497] {strides = array<i32>} : memref<8x100x64xf32, #tpu.memory_space<vmem>>, vector<1x1x16xf32>,
        %get3A_499 = vector.shape_cast %get3A_498 : vector<1x1x16xf32> to vector<16xf32>
        %add3A_500 = arith.addf %scan3A_479, %get3A_499 : vector<16xf32>
        %get3A_501 = arith.constant 4 : i32
        %get3A_502 = arith.index_cast %get3A_501 : i32 to index
        %get3A_503 = arith.index_cast %scan3A_476 : i32 to index
        %get3A_504 = arith.constant 48 : index
        %get3A_505 = tpu.vector_load %arg6[%get3A_502, %get3A_503, %get3A_504] {strides = array<i32>} : memref<8x100x64xf32, #tpu.memory_space<vmem>>, vector<1x1x16xf32>,
        %get3A_506 = vector.shape_cast %get3A_505 : vector<1x1x16xf32> to vector<16xf32>
        %add3A_507 = arith.addf %scan3A_480, %get3A_506 : vector<16xf32>
        %scan3A_508 = arith.constant 1 : i32
        %scan3A_509 = arith.addi %scan3A_476, %scan3A_508 : i32
        %get3A_510 = arith.constant 4 : i32
        %get3A_511 = arith.index_cast %get3A_510 : i32 to index
        %get3A_512 = arith.index_cast %scan3A_509 : i32 to index
        %get3A_513 = arith.constant 0 : index
        %get3A_514 = tpu.vector_load %arg6[%get3A_511, %get3A_512, %get3A_513] {strides = array<i32>} : memref<8x100x64xf32, #tpu.memory_space<vmem>>, vector<1x1x16xf32>,
        %get3A_515 = vector.shape_cast %get3A_514 : vector<1x1x16xf32> to vector<16xf32>
        %add3A_516 = arith.addf %add3A_486, %get3A_515 : vector<16xf32>
        %get3A_517 = arith.constant 4 : i32
        %get3A_518 = arith.index_cast %get3A_517 : i32 to index
        %get3A_519 = arith.index_cast %scan3A_509 : i32 to index
        %get3A_520 = arith.constant 16 : index
        %get3A_521 = tpu.vector_load %arg6[%get3A_518, %get3A_519, %get3A_520] {strides = array<i32>} : memref<8x100x64xf32, #tpu.memory_space<vmem>>, vector<1x1x16xf32>,
        %get3A_522 = vector.shape_cast %get3A_521 : vector<1x1x16xf32> to vector<16xf32>
        %add3A_523 = arith.addf %add3A_493, %get3A_522 : vector<16xf32>
        %get3A_524 = arith.constant 4 : i32
        %get3A_525 = arith.index_cast %get3A_524 : i32 to index
        %get3A_526 = arith.index_cast %scan3A_509 : i32 to index
        %get3A_527 = arith.constant 32 : index
        %get3A_528 = tpu.vector_load %arg6[%get3A_525, %get3A_526, %get3A_527] {strides = array<i32>} : memref<8x100x64xf32, #tpu.memory_space<vmem>>, vector<1x1x16xf32>,
        %get3A_529 = vector.shape_cast %get3A_528 : vector<1x1x16xf32> to vector<16xf32>
        %add3A_530 = arith.addf %add3A_500, %get3A_529 : vector<16xf32>
        %get3A_531 = arith.constant 4 : i32
        %get3A_532 = arith.index_cast %get3A_531 : i32 to index
        %get3A_533 = arith.index_cast %scan3A_509 : i32 to index
        %get3A_534 = arith.constant 48 : index
        %get3A_535 = tpu.vector_load %arg6[%get3A_532, %get3A_533, %get3A_534] {strides = array<i32>} : memref<8x100x64xf32, #tpu.memory_space<vmem>>, vector<1x1x16xf32>,
        %get3A_536 = vector.shape_cast %get3A_535 : vector<1x1x16xf32> to vector<16xf32>
        %add3A_537 = arith.addf %add3A_507, %get3A_536 : vector<16xf32>
        scf.yield %add3A_516, %add3A_523, %add3A_530, %add3A_537 : vector<16xf32>, vector<16xf32>, vector<16xf32>, vector<16xf32>
      }
      %scan3A_331 = arith.constant 100 : i32
      %dma_wait3A_332 = arith.constant 0 : i32
      %dma_wait3A_333 = arith.constant 5 : i32
      %dma_wait3A_334 = arith.constant 5 : i32
      %dma_wait3A_335 = arith.constant 0 : i32
      %dma_wait3A_336 = arith.constant 0 : i32
      %dma_wait3A_337 = tpu.memref_slice %arg6[%dma_wait3A_333, %dma_wait3A_335, %dma_wait3A_336] : memref<8x100x64xf32, #tpu.memory_space<vmem>> -> memref<1x100x64xf32, #tpu.memory_space<vmem>>
      %dma_wait3A_338 = tpu.memref_squeeze %dma_wait3A_337 : memref<1x100x64xf32, #tpu.memory_space<vmem>> -> memref<100x64xf32, #tpu.memory_space<vmem>>
      %dma_wait3A_339 = arith.constant 0 : i32
      %dma_wait3A_340 = tpu.memref_slice %arg5[%dma_wait3A_332, %dma_wait3A_339] : memref<256x100xi32, #tpu.memory_space<vmem>> -> memref<1x100xi32, #tpu.memory_space<vmem>>
      %dma_wait3A_341 = tpu.memref_squeeze %dma_wait3A_340 : memref<1x100xi32, #tpu.memory_space<vmem>> -> memref<100xi32, #tpu.memory_space<vmem>>
      %dma_wait3A_342 = arith.constant 0 : i32
      %dma_wait3A_343 = arith.constant 0 : i32
      %dma_wait3A_344 = tpu.memref_slice %arg3[%dma_wait3A_342, %dma_wait3A_343] : memref<1000000x64xf32, #tpu.memory_space<hbm>> -> memref<1000000x64xf32, #tpu.memory_space<hbm>>
      %dma_wait3A_345 = tpu.memref_slice %arg8[%dma_wait3A_334] : memref<8x!tpu.dma_semaphore, #tpu.memory_space<semaphore_mem>> -> memref<1x!tpu.dma_semaphore, #tpu.memory_space<semaphore_mem>>
      %dma_wait3A_346 = tpu.memref_squeeze %dma_wait3A_345 : memref<1x!tpu.dma_semaphore, #tpu.memory_space<semaphore_mem>> -> memref<!tpu.dma_semaphore, #tpu.memory_space<semaphore_mem>>
      tpu.wait_indirect_dma semaphore(%dma_wait3A_346 : memref<!tpu.dma_semaphore, #tpu.memory_space<semaphore_mem>>) src(%dma_wait3A_344 : memref<1000000x64xf32, #tpu.memory_space<hbm>>) dst(%dma_wait3A_338 : memref<100x64xf32, #tpu.memory_space<vmem>>)
      %scan3A_347 = arith.constant 0 : i32
      %scan3A_348 = arith.constant 100 : i32
      %scan3A_349 = arith.addi %scan3A_347, %scan3A_348 : i32
      %scan3A_350 = arith.constant 2 : i32
      %scan3A_351:4 = scf.for %scan3A_476 = %scan3A_347 to %scan3A_349 step %scan3A_350 iter_args(%scan3A_477 = %scan3A_330#0, %scan3A_478 = %scan3A_330#1, %scan3A_479 = %scan3A_330#2, %scan3A_480 = %scan3A_330#3) -> (vector<16xf32>, vector<16xf32>, vector<16xf32>, vector<16xf32>)  : i32 {
        %get3A = arith.constant 5 : i32
        %get3A_481 = arith.index_cast %get3A : i32 to index
        %get3A_482 = arith.index_cast %scan3A_476 : i32 to index
        %get3A_483 = arith.constant 0 : index
        %get3A_484 = tpu.vector_load %arg6[%get3A_481, %get3A_482, %get3A_483] {strides = array<i32>} : memref<8x100x64xf32, #tpu.memory_space<vmem>>, vector<1x1x16xf32>,
        %get3A_485 = vector.shape_cast %get3A_484 : vector<1x1x16xf32> to vector<16xf32>
        %add3A_486 = arith.addf %scan3A_477, %get3A_485 : vector<16xf32>
        %get3A_487 = arith.constant 5 : i32
        %get3A_488 = arith.index_cast %get3A_487 : i32 to index
        %get3A_489 = arith.index_cast %scan3A_476 : i32 to index
        %get3A_490 = arith.constant 16 : index
        %get3A_491 = tpu.vector_load %arg6[%get3A_488, %get3A_489, %get3A_490] {strides = array<i32>} : memref<8x100x64xf32, #tpu.memory_space<vmem>>, vector<1x1x16xf32>,
        %get3A_492 = vector.shape_cast %get3A_491 : vector<1x1x16xf32> to vector<16xf32>
        %add3A_493 = arith.addf %scan3A_478, %get3A_492 : vector<16xf32>
        %get3A_494 = arith.constant 5 : i32
        %get3A_495 = arith.index_cast %get3A_494 : i32 to index
        %get3A_496 = arith.index_cast %scan3A_476 : i32 to index
        %get3A_497 = arith.constant 32 : index
        %get3A_498 = tpu.vector_load %arg6[%get3A_495, %get3A_496, %get3A_497] {strides = array<i32>} : memref<8x100x64xf32, #tpu.memory_space<vmem>>, vector<1x1x16xf32>,
        %get3A_499 = vector.shape_cast %get3A_498 : vector<1x1x16xf32> to vector<16xf32>
        %add3A_500 = arith.addf %scan3A_479, %get3A_499 : vector<16xf32>
        %get3A_501 = arith.constant 5 : i32
        %get3A_502 = arith.index_cast %get3A_501 : i32 to index
        %get3A_503 = arith.index_cast %scan3A_476 : i32 to index
        %get3A_504 = arith.constant 48 : index
        %get3A_505 = tpu.vector_load %arg6[%get3A_502, %get3A_503, %get3A_504] {strides = array<i32>} : memref<8x100x64xf32, #tpu.memory_space<vmem>>, vector<1x1x16xf32>,
        %get3A_506 = vector.shape_cast %get3A_505 : vector<1x1x16xf32> to vector<16xf32>
        %add3A_507 = arith.addf %scan3A_480, %get3A_506 : vector<16xf32>
        %scan3A_508 = arith.constant 1 : i32
        %scan3A_509 = arith.addi %scan3A_476, %scan3A_508 : i32
        %get3A_510 = arith.constant 5 : i32
        %get3A_511 = arith.index_cast %get3A_510 : i32 to index
        %get3A_512 = arith.index_cast %scan3A_509 : i32 to index
        %get3A_513 = arith.constant 0 : index
        %get3A_514 = tpu.vector_load %arg6[%get3A_511, %get3A_512, %get3A_513] {strides = array<i32>} : memref<8x100x64xf32, #tpu.memory_space<vmem>>, vector<1x1x16xf32>,
        %get3A_515 = vector.shape_cast %get3A_514 : vector<1x1x16xf32> to vector<16xf32>
        %add3A_516 = arith.addf %add3A_486, %get3A_515 : vector<16xf32>
        %get3A_517 = arith.constant 5 : i32
        %get3A_518 = arith.index_cast %get3A_517 : i32 to index
        %get3A_519 = arith.index_cast %scan3A_509 : i32 to index
        %get3A_520 = arith.constant 16 : index
        %get3A_521 = tpu.vector_load %arg6[%get3A_518, %get3A_519, %get3A_520] {strides = array<i32>} : memref<8x100x64xf32, #tpu.memory_space<vmem>>, vector<1x1x16xf32>,
        %get3A_522 = vector.shape_cast %get3A_521 : vector<1x1x16xf32> to vector<16xf32>
        %add3A_523 = arith.addf %add3A_493, %get3A_522 : vector<16xf32>
        %get3A_524 = arith.constant 5 : i32
        %get3A_525 = arith.index_cast %get3A_524 : i32 to index
        %get3A_526 = arith.index_cast %scan3A_509 : i32 to index
        %get3A_527 = arith.constant 32 : index
        %get3A_528 = tpu.vector_load %arg6[%get3A_525, %get3A_526, %get3A_527] {strides = array<i32>} : memref<8x100x64xf32, #tpu.memory_space<vmem>>, vector<1x1x16xf32>,
        %get3A_529 = vector.shape_cast %get3A_528 : vector<1x1x16xf32> to vector<16xf32>
        %add3A_530 = arith.addf %add3A_500, %get3A_529 : vector<16xf32>
        %get3A_531 = arith.constant 5 : i32
        %get3A_532 = arith.index_cast %get3A_531 : i32 to index
        %get3A_533 = arith.index_cast %scan3A_509 : i32 to index
        %get3A_534 = arith.constant 48 : index
        %get3A_535 = tpu.vector_load %arg6[%get3A_532, %get3A_533, %get3A_534] {strides = array<i32>} : memref<8x100x64xf32, #tpu.memory_space<vmem>>, vector<1x1x16xf32>,
        %get3A_536 = vector.shape_cast %get3A_535 : vector<1x1x16xf32> to vector<16xf32>
        %add3A_537 = arith.addf %add3A_507, %get3A_536 : vector<16xf32>
        scf.yield %add3A_516, %add3A_523, %add3A_530, %add3A_537 : vector<16xf32>, vector<16xf32>, vector<16xf32>, vector<16xf32>
      }
      %scan3A_352 = arith.constant 100 : i32
      %mul3A_353 = vector.broadcast %scan3A : f32 to vector<16xf32>
      %mul3A_354 = arith.mulf %scan3A_351#0, %mul3A_353 : vector<16xf32>
      %swap3A_355 = arith.index_cast %add3A_302 : i32 to index
      %swap3A_356 = arith.constant 0 : index
      %swap3A_357 = tpu.vector_load %arg7[%swap3A_355, %swap3A_356] {strides = array<i32>} : memref<128x64xf32, #tpu.memory_space<vmem>>, vector<1x16xf32>,
      %swap3A_358 = vector.shape_cast %swap3A_357 : vector<1x16xf32> to vector<16xf32>
      %swap3A_359 = vector.shape_cast %mul3A_354 : vector<16xf32> to vector<1x16xf32>
      tpu.vector_store %arg7[%swap3A_355, %swap3A_356], %swap3A_359 {strides = array<i32>} : memref<128x64xf32, #tpu.memory_space<vmem>>, vector<1x16xf32>,
      %mul3A_360 = vector.broadcast %scan3A : f32 to vector<16xf32>
      %mul3A_361 = arith.mulf %scan3A_351#1, %mul3A_360 : vector<16xf32>
      %swap3A_362 = arith.index_cast %add3A_302 : i32 to index
      %swap3A_363 = arith.constant 16 : index
      %swap3A_364 = tpu.vector_load %arg7[%swap3A_362, %swap3A_363] {strides = array<i32>} : memref<128x64xf32, #tpu.memory_space<vmem>>, vector<1x16xf32>,
      %swap3A_365 = vector.shape_cast %swap3A_364 : vector<1x16xf32> to vector<16xf32>
      %swap3A_366 = vector.shape_cast %mul3A_361 : vector<16xf32> to vector<1x16xf32>
      tpu.vector_store %arg7[%swap3A_362, %swap3A_363], %swap3A_366 {strides = array<i32>} : memref<128x64xf32, #tpu.memory_space<vmem>>, vector<1x16xf32>,
      %mul3A_367 = vector.broadcast %scan3A : f32 to vector<16xf32>
      %mul3A_368 = arith.mulf %scan3A_351#2, %mul3A_367 : vector<16xf32>
      %swap3A_369 = arith.index_cast %add3A_302 : i32 to index
      %swap3A_370 = arith.constant 32 : index
      %swap3A_371 = tpu.vector_load %arg7[%swap3A_369, %swap3A_370] {strides = array<i32>} : memref<128x64xf32, #tpu.memory_space<vmem>>, vector<1x16xf32>,
      %swap3A_372 = vector.shape_cast %swap3A_371 : vector<1x16xf32> to vector<16xf32>
      %swap3A_373 = vector.shape_cast %mul3A_368 : vector<16xf32> to vector<1x16xf32>
      tpu.vector_store %arg7[%swap3A_369, %swap3A_370], %swap3A_373 {strides = array<i32>} : memref<128x64xf32, #tpu.memory_space<vmem>>, vector<1x16xf32>,
      %mul3A_374 = vector.broadcast %scan3A : f32 to vector<16xf32>
      %mul3A_375 = arith.mulf %scan3A_351#3, %mul3A_374 : vector<16xf32>
      %swap3A_376 = arith.index_cast %add3A_302 : i32 to index
      %swap3A_377 = arith.constant 48 : index
      %swap3A_378 = tpu.vector_load %arg7[%swap3A_376, %swap3A_377] {strides = array<i32>} : memref<128x64xf32, #tpu.memory_space<vmem>>, vector<1x16xf32>,
      %swap3A_379 = vector.shape_cast %swap3A_378 : vector<1x16xf32> to vector<16xf32>
      %swap3A_380 = vector.shape_cast %mul3A_375 : vector<16xf32> to vector<1x16xf32>
      tpu.vector_store %arg7[%swap3A_376, %swap3A_377], %swap3A_380 {strides = array<i32>} : memref<128x64xf32, #tpu.memory_space<vmem>>, vector<1x16xf32>,
      %add3A_381 = arith.constant 4 : i32
      %add3A_382 = arith.addi %add3A_302, %add3A_381 : i32
      %lt3A_383 = arith.constant 128 : i32
      %lt3A_384 = arith.cmpi slt, %add3A_382, %lt3A_383 : i32
      %convert_element_type3A_385 = arith.extui %lt3A_384 : i1 to i32
      %cond3A_386 = arith.constant 0 : i32
      %cond3A_387 = arith.cmpi ne, %convert_element_type3A_385, %cond3A_386 : i32
      scf.if %cond3A_387 {
        %add3A_476 = arith.constant 4 : i32
        %add3A_477 = arith.addi %add3A_302, %add3A_476 : i32
        %mul3A_478 = arith.constant 2 : i32
        %mul3A_479 = arith.muli %add3A_477, %mul3A_478 : i32
        %add3A_480 = arith.constant 0 : i32
        %add3A_481 = arith.addi %mul3A_479, %add3A_480 : i32
        %dma_start3A_482 = arith.constant 4 : i32
        %dma_start3A_483 = arith.constant 4 : i32
        %dma_start3A_484 = arith.constant 0 : i32
        %dma_start3A_485 = arith.constant 0 : i32
        %dma_start3A_486 = tpu.memref_slice %arg6[%dma_start3A_482, %dma_start3A_484, %dma_start3A_485] : memref<8x100x64xf32, #tpu.memory_space<vmem>> -> memref<1x100x64xf32, #tpu.memory_space<vmem>>
        %dma_start3A_487 = tpu.memref_squeeze %dma_start3A_486 : memref<1x100x64xf32, #tpu.memory_space<vmem>> -> memref<100x64xf32, #tpu.memory_space<vmem>>
        %dma_start3A_488 = arith.constant 0 : i32
        %dma_start3A_489 = tpu.memref_slice %arg5[%add3A_481, %dma_start3A_488] : memref<256x100xi32, #tpu.memory_space<vmem>> -> memref<1x100xi32, #tpu.memory_space<vmem>>
        %dma_start3A_490 = tpu.memref_squeeze %dma_start3A_489 : memref<1x100xi32, #tpu.memory_space<vmem>> -> memref<100xi32, #tpu.memory_space<vmem>>
        %dma_start3A_491 = arith.constant 0 : i32
        %dma_start3A_492 = arith.constant 0 : i32
        %dma_start3A_493 = tpu.memref_slice %arg3[%dma_start3A_491, %dma_start3A_492] : memref<1000000x64xf32, #tpu.memory_space<hbm>> -> memref<1000000x64xf32, #tpu.memory_space<hbm>>
        %dma_start3A_494 = tpu.memref_slice %arg8[%dma_start3A_483] : memref<8x!tpu.dma_semaphore, #tpu.memory_space<semaphore_mem>> -> memref<1x!tpu.dma_semaphore, #tpu.memory_space<semaphore_mem>>
        %dma_start3A_495 = tpu.memref_squeeze %dma_start3A_494 : memref<1x!tpu.dma_semaphore, #tpu.memory_space<semaphore_mem>> -> memref<!tpu.dma_semaphore, #tpu.memory_space<semaphore_mem>>
        tpu.enqueue_indirect_dma source(%dma_start3A_493 : memref<1000000x64xf32, #tpu.memory_space<hbm>>) target(%dma_start3A_487 : memref<100x64xf32, #tpu.memory_space<vmem>>) offsets(%dma_start3A_490 : memref<100xi32, #tpu.memory_space<vmem>>) semaphore(%dma_start3A_495 : memref<!tpu.dma_semaphore, #tpu.memory_space<semaphore_mem>>)
        %mul3A_496 = arith.constant 2 : i32
        %mul3A_497 = arith.muli %add3A_477, %mul3A_496 : i32
        %add3A_498 = arith.constant 1 : i32
        %add3A_499 = arith.addi %mul3A_497, %add3A_498 : i32
        %dma_start3A_500 = arith.constant 5 : i32
        %dma_start3A_501 = arith.constant 5 : i32
        %dma_start3A_502 = arith.constant 0 : i32
        %dma_start3A_503 = arith.constant 0 : i32
        %dma_start3A_504 = tpu.memref_slice %arg6[%dma_start3A_500, %dma_start3A_502, %dma_start3A_503] : memref<8x100x64xf32, #tpu.memory_space<vmem>> -> memref<1x100x64xf32, #tpu.memory_space<vmem>>
        %dma_start3A_505 = tpu.memref_squeeze %dma_start3A_504 : memref<1x100x64xf32, #tpu.memory_space<vmem>> -> memref<100x64xf32, #tpu.memory_space<vmem>>
        %dma_start3A_506 = arith.constant 0 : i32
        %dma_start3A_507 = tpu.memref_slice %arg5[%add3A_499, %dma_start3A_506] : memref<256x100xi32, #tpu.memory_space<vmem>> -> memref<1x100xi32, #tpu.memory_space<vmem>>
        %dma_start3A_508 = tpu.memref_squeeze %dma_start3A_507 : memref<1x100xi32, #tpu.memory_space<vmem>> -> memref<100xi32, #tpu.memory_space<vmem>>
        %dma_start3A_509 = arith.constant 0 : i32
        %dma_start3A_510 = arith.constant 0 : i32
        %dma_start3A_511 = tpu.memref_slice %arg3[%dma_start3A_509, %dma_start3A_510] : memref<1000000x64xf32, #tpu.memory_space<hbm>> -> memref<1000000x64xf32, #tpu.memory_space<hbm>>
        %dma_start3A_512 = tpu.memref_slice %arg8[%dma_start3A_501] : memref<8x!tpu.dma_semaphore, #tpu.memory_space<semaphore_mem>> -> memref<1x!tpu.dma_semaphore, #tpu.memory_space<semaphore_mem>>
        %dma_start3A_513 = tpu.memref_squeeze %dma_start3A_512 : memref<1x!tpu.dma_semaphore, #tpu.memory_space<semaphore_mem>> -> memref<!tpu.dma_semaphore, #tpu.memory_space<semaphore_mem>>
        tpu.enqueue_indirect_dma source(%dma_start3A_511 : memref<1000000x64xf32, #tpu.memory_space<hbm>>) target(%dma_start3A_505 : memref<100x64xf32, #tpu.memory_space<vmem>>) offsets(%dma_start3A_508 : memref<100xi32, #tpu.memory_space<vmem>>) semaphore(%dma_start3A_513 : memref<!tpu.dma_semaphore, #tpu.memory_space<semaphore_mem>>)
      } else {
      }
      %add3A_388 = arith.constant 3 : i32
      %add3A_389 = arith.addi %mul3A_132, %add3A_388 : i32
      %broadcast_in_dim3A_390 = arith.constant 0.000000e+00 : f32
      %broadcast_in_dim3A_391 = vector.broadcast %broadcast_in_dim3A_390 : f32 to vector<16xf32>
      %broadcast_in_dim3A_392 = arith.constant 0.000000e+00 : f32
      %broadcast_in_dim3A_393 = vector.broadcast %broadcast_in_dim3A_392 : f32 to vector<16xf32>
      %broadcast_in_dim3A_394 = arith.constant 0.000000e+00 : f32
      %broadcast_in_dim3A_395 = vector.broadcast %broadcast_in_dim3A_394 : f32 to vector<16xf32>
      %broadcast_in_dim3A_396 = arith.constant 0.000000e+00 : f32
      %broadcast_in_dim3A_397 = vector.broadcast %broadcast_in_dim3A_396 : f32 to vector<16xf32>
      %dma_wait3A_398 = arith.constant 0 : i32
      %dma_wait3A_399 = arith.constant 6 : i32
      %dma_wait3A_400 = arith.constant 6 : i32
      %dma_wait3A_401 = arith.constant 0 : i32
      %dma_wait3A_402 = arith.constant 0 : i32
      %dma_wait3A_403 = tpu.memref_slice %arg6[%dma_wait3A_399, %dma_wait3A_401, %dma_wait3A_402] : memref<8x100x64xf32, #tpu.memory_space<vmem>> -> memref<1x100x64xf32, #tpu.memory_space<vmem>>
      %dma_wait3A_404 = tpu.memref_squeeze %dma_wait3A_403 : memref<1x100x64xf32, #tpu.memory_space<vmem>> -> memref<100x64xf32, #tpu.memory_space<vmem>>
      %dma_wait3A_405 = arith.constant 0 : i32
      %dma_wait3A_406 = tpu.memref_slice %arg5[%dma_wait3A_398, %dma_wait3A_405] : memref<256x100xi32, #tpu.memory_space<vmem>> -> memref<1x100xi32, #tpu.memory_space<vmem>>
      %dma_wait3A_407 = tpu.memref_squeeze %dma_wait3A_406 : memref<1x100xi32, #tpu.memory_space<vmem>> -> memref<100xi32, #tpu.memory_space<vmem>>
      %dma_wait3A_408 = arith.constant 0 : i32
      %dma_wait3A_409 = arith.constant 0 : i32
      %dma_wait3A_410 = tpu.memref_slice %arg3[%dma_wait3A_408, %dma_wait3A_409] : memref<1000000x64xf32, #tpu.memory_space<hbm>> -> memref<1000000x64xf32, #tpu.memory_space<hbm>>
      %dma_wait3A_411 = tpu.memref_slice %arg8[%dma_wait3A_400] : memref<8x!tpu.dma_semaphore, #tpu.memory_space<semaphore_mem>> -> memref<1x!tpu.dma_semaphore, #tpu.memory_space<semaphore_mem>>
      %dma_wait3A_412 = tpu.memref_squeeze %dma_wait3A_411 : memref<1x!tpu.dma_semaphore, #tpu.memory_space<semaphore_mem>> -> memref<!tpu.dma_semaphore, #tpu.memory_space<semaphore_mem>>
      tpu.wait_indirect_dma semaphore(%dma_wait3A_412 : memref<!tpu.dma_semaphore, #tpu.memory_space<semaphore_mem>>) src(%dma_wait3A_410 : memref<1000000x64xf32, #tpu.memory_space<hbm>>) dst(%dma_wait3A_404 : memref<100x64xf32, #tpu.memory_space<vmem>>)
      %scan3A_413 = arith.constant 0 : i32
      %scan3A_414 = arith.constant 100 : i32
      %scan3A_415 = arith.addi %scan3A_413, %scan3A_414 : i32
      %scan3A_416 = arith.constant 2 : i32
      %scan3A_417:4 = scf.for %scan3A_476 = %scan3A_413 to %scan3A_415 step %scan3A_416 iter_args(%scan3A_477 = %broadcast_in_dim3A_391, %scan3A_478 = %broadcast_in_dim3A_393, %scan3A_479 = %broadcast_in_dim3A_395, %scan3A_480 = %broadcast_in_dim3A_397) -> (vector<16xf32>, vector<16xf32>, vector<16xf32>, vector<16xf32>)  : i32 {
        %get3A = arith.constant 6 : i32
        %get3A_481 = arith.index_cast %get3A : i32 to index
        %get3A_482 = arith.index_cast %scan3A_476 : i32 to index
        %get3A_483 = arith.constant 0 : index
        %get3A_484 = tpu.vector_load %arg6[%get3A_481, %get3A_482, %get3A_483] {strides = array<i32>} : memref<8x100x64xf32, #tpu.memory_space<vmem>>, vector<1x1x16xf32>,
        %get3A_485 = vector.shape_cast %get3A_484 : vector<1x1x16xf32> to vector<16xf32>
        %add3A_486 = arith.addf %scan3A_477, %get3A_485 : vector<16xf32>
        %get3A_487 = arith.constant 6 : i32
        %get3A_488 = arith.index_cast %get3A_487 : i32 to index
        %get3A_489 = arith.index_cast %scan3A_476 : i32 to index
        %get3A_490 = arith.constant 16 : index
        %get3A_491 = tpu.vector_load %arg6[%get3A_488, %get3A_489, %get3A_490] {strides = array<i32>} : memref<8x100x64xf32, #tpu.memory_space<vmem>>, vector<1x1x16xf32>,
        %get3A_492 = vector.shape_cast %get3A_491 : vector<1x1x16xf32> to vector<16xf32>
        %add3A_493 = arith.addf %scan3A_478, %get3A_492 : vector<16xf32>
        %get3A_494 = arith.constant 6 : i32
        %get3A_495 = arith.index_cast %get3A_494 : i32 to index
        %get3A_496 = arith.index_cast %scan3A_476 : i32 to index
        %get3A_497 = arith.constant 32 : index
        %get3A_498 = tpu.vector_load %arg6[%get3A_495, %get3A_496, %get3A_497] {strides = array<i32>} : memref<8x100x64xf32, #tpu.memory_space<vmem>>, vector<1x1x16xf32>,
        %get3A_499 = vector.shape_cast %get3A_498 : vector<1x1x16xf32> to vector<16xf32>
        %add3A_500 = arith.addf %scan3A_479, %get3A_499 : vector<16xf32>
        %get3A_501 = arith.constant 6 : i32
        %get3A_502 = arith.index_cast %get3A_501 : i32 to index
        %get3A_503 = arith.index_cast %scan3A_476 : i32 to index
        %get3A_504 = arith.constant 48 : index
        %get3A_505 = tpu.vector_load %arg6[%get3A_502, %get3A_503, %get3A_504] {strides = array<i32>} : memref<8x100x64xf32, #tpu.memory_space<vmem>>, vector<1x1x16xf32>,
        %get3A_506 = vector.shape_cast %get3A_505 : vector<1x1x16xf32> to vector<16xf32>
        %add3A_507 = arith.addf %scan3A_480, %get3A_506 : vector<16xf32>
        %scan3A_508 = arith.constant 1 : i32
        %scan3A_509 = arith.addi %scan3A_476, %scan3A_508 : i32
        %get3A_510 = arith.constant 6 : i32
        %get3A_511 = arith.index_cast %get3A_510 : i32 to index
        %get3A_512 = arith.index_cast %scan3A_509 : i32 to index
        %get3A_513 = arith.constant 0 : index
        %get3A_514 = tpu.vector_load %arg6[%get3A_511, %get3A_512, %get3A_513] {strides = array<i32>} : memref<8x100x64xf32, #tpu.memory_space<vmem>>, vector<1x1x16xf32>,
        %get3A_515 = vector.shape_cast %get3A_514 : vector<1x1x16xf32> to vector<16xf32>
        %add3A_516 = arith.addf %add3A_486, %get3A_515 : vector<16xf32>
        %get3A_517 = arith.constant 6 : i32
        %get3A_518 = arith.index_cast %get3A_517 : i32 to index
        %get3A_519 = arith.index_cast %scan3A_509 : i32 to index
        %get3A_520 = arith.constant 16 : index
        %get3A_521 = tpu.vector_load %arg6[%get3A_518, %get3A_519, %get3A_520] {strides = array<i32>} : memref<8x100x64xf32, #tpu.memory_space<vmem>>, vector<1x1x16xf32>,
        %get3A_522 = vector.shape_cast %get3A_521 : vector<1x1x16xf32> to vector<16xf32>
        %add3A_523 = arith.addf %add3A_493, %get3A_522 : vector<16xf32>
        %get3A_524 = arith.constant 6 : i32
        %get3A_525 = arith.index_cast %get3A_524 : i32 to index
        %get3A_526 = arith.index_cast %scan3A_509 : i32 to index
        %get3A_527 = arith.constant 32 : index
        %get3A_528 = tpu.vector_load %arg6[%get3A_525, %get3A_526, %get3A_527] {strides = array<i32>} : memref<8x100x64xf32, #tpu.memory_space<vmem>>, vector<1x1x16xf32>,
        %get3A_529 = vector.shape_cast %get3A_528 : vector<1x1x16xf32> to vector<16xf32>
        %add3A_530 = arith.addf %add3A_500, %get3A_529 : vector<16xf32>
        %get3A_531 = arith.constant 6 : i32
        %get3A_532 = arith.index_cast %get3A_531 : i32 to index
        %get3A_533 = arith.index_cast %scan3A_509 : i32 to index
        %get3A_534 = arith.constant 48 : index
        %get3A_535 = tpu.vector_load %arg6[%get3A_532, %get3A_533, %get3A_534] {strides = array<i32>} : memref<8x100x64xf32, #tpu.memory_space<vmem>>, vector<1x1x16xf32>,
        %get3A_536 = vector.shape_cast %get3A_535 : vector<1x1x16xf32> to vector<16xf32>
        %add3A_537 = arith.addf %add3A_507, %get3A_536 : vector<16xf32>
        scf.yield %add3A_516, %add3A_523, %add3A_530, %add3A_537 : vector<16xf32>, vector<16xf32>, vector<16xf32>, vector<16xf32>
      }
      %scan3A_418 = arith.constant 100 : i32
      %dma_wait3A_419 = arith.constant 0 : i32
      %dma_wait3A_420 = arith.constant 7 : i32
      %dma_wait3A_421 = arith.constant 7 : i32
      %dma_wait3A_422 = arith.constant 0 : i32
      %dma_wait3A_423 = arith.constant 0 : i32
      %dma_wait3A_424 = tpu.memref_slice %arg6[%dma_wait3A_420, %dma_wait3A_422, %dma_wait3A_423] : memref<8x100x64xf32, #tpu.memory_space<vmem>> -> memref<1x100x64xf32, #tpu.memory_space<vmem>>
      %dma_wait3A_425 = tpu.memref_squeeze %dma_wait3A_424 : memref<1x100x64xf32, #tpu.memory_space<vmem>> -> memref<100x64xf32, #tpu.memory_space<vmem>>
      %dma_wait3A_426 = arith.constant 0 : i32
      %dma_wait3A_427 = tpu.memref_slice %arg5[%dma_wait3A_419, %dma_wait3A_426] : memref<256x100xi32, #tpu.memory_space<vmem>> -> memref<1x100xi32, #tpu.memory_space<vmem>>
      %dma_wait3A_428 = tpu.memref_squeeze %dma_wait3A_427 : memref<1x100xi32, #tpu.memory_space<vmem>> -> memref<100xi32, #tpu.memory_space<vmem>>
      %dma_wait3A_429 = arith.constant 0 : i32
      %dma_wait3A_430 = arith.constant 0 : i32
      %dma_wait3A_431 = tpu.memref_slice %arg3[%dma_wait3A_429, %dma_wait3A_430] : memref<1000000x64xf32, #tpu.memory_space<hbm>> -> memref<1000000x64xf32, #tpu.memory_space<hbm>>
      %dma_wait3A_432 = tpu.memref_slice %arg8[%dma_wait3A_421] : memref<8x!tpu.dma_semaphore, #tpu.memory_space<semaphore_mem>> -> memref<1x!tpu.dma_semaphore, #tpu.memory_space<semaphore_mem>>
      %dma_wait3A_433 = tpu.memref_squeeze %dma_wait3A_432 : memref<1x!tpu.dma_semaphore, #tpu.memory_space<semaphore_mem>> -> memref<!tpu.dma_semaphore, #tpu.memory_space<semaphore_mem>>
      tpu.wait_indirect_dma semaphore(%dma_wait3A_433 : memref<!tpu.dma_semaphore, #tpu.memory_space<semaphore_mem>>) src(%dma_wait3A_431 : memref<1000000x64xf32, #tpu.memory_space<hbm>>) dst(%dma_wait3A_425 : memref<100x64xf32, #tpu.memory_space<vmem>>)
      %scan3A_434 = arith.constant 0 : i32
      %scan3A_435 = arith.constant 100 : i32
      %scan3A_436 = arith.addi %scan3A_434, %scan3A_435 : i32
      %scan3A_437 = arith.constant 2 : i32
      %scan3A_438:4 = scf.for %scan3A_476 = %scan3A_434 to %scan3A_436 step %scan3A_437 iter_args(%scan3A_477 = %scan3A_417#0, %scan3A_478 = %scan3A_417#1, %scan3A_479 = %scan3A_417#2, %scan3A_480 = %scan3A_417#3) -> (vector<16xf32>, vector<16xf32>, vector<16xf32>, vector<16xf32>)  : i32 {
        %get3A = arith.constant 7 : i32
        %get3A_481 = arith.index_cast %get3A : i32 to index
        %get3A_482 = arith.index_cast %scan3A_476 : i32 to index
        %get3A_483 = arith.constant 0 : index
        %get3A_484 = tpu.vector_load %arg6[%get3A_481, %get3A_482, %get3A_483] {strides = array<i32>} : memref<8x100x64xf32, #tpu.memory_space<vmem>>, vector<1x1x16xf32>,
        %get3A_485 = vector.shape_cast %get3A_484 : vector<1x1x16xf32> to vector<16xf32>
        %add3A_486 = arith.addf %scan3A_477, %get3A_485 : vector<16xf32>
        %get3A_487 = arith.constant 7 : i32
        %get3A_488 = arith.index_cast %get3A_487 : i32 to index
        %get3A_489 = arith.index_cast %scan3A_476 : i32 to index
        %get3A_490 = arith.constant 16 : index
        %get3A_491 = tpu.vector_load %arg6[%get3A_488, %get3A_489, %get3A_490] {strides = array<i32>} : memref<8x100x64xf32, #tpu.memory_space<vmem>>, vector<1x1x16xf32>,
        %get3A_492 = vector.shape_cast %get3A_491 : vector<1x1x16xf32> to vector<16xf32>
        %add3A_493 = arith.addf %scan3A_478, %get3A_492 : vector<16xf32>
        %get3A_494 = arith.constant 7 : i32
        %get3A_495 = arith.index_cast %get3A_494 : i32 to index
        %get3A_496 = arith.index_cast %scan3A_476 : i32 to index
        %get3A_497 = arith.constant 32 : index
        %get3A_498 = tpu.vector_load %arg6[%get3A_495, %get3A_496, %get3A_497] {strides = array<i32>} : memref<8x100x64xf32, #tpu.memory_space<vmem>>, vector<1x1x16xf32>,
        %get3A_499 = vector.shape_cast %get3A_498 : vector<1x1x16xf32> to vector<16xf32>
        %add3A_500 = arith.addf %scan3A_479, %get3A_499 : vector<16xf32>
        %get3A_501 = arith.constant 7 : i32
        %get3A_502 = arith.index_cast %get3A_501 : i32 to index
        %get3A_503 = arith.index_cast %scan3A_476 : i32 to index
        %get3A_504 = arith.constant 48 : index
        %get3A_505 = tpu.vector_load %arg6[%get3A_502, %get3A_503, %get3A_504] {strides = array<i32>} : memref<8x100x64xf32, #tpu.memory_space<vmem>>, vector<1x1x16xf32>,
        %get3A_506 = vector.shape_cast %get3A_505 : vector<1x1x16xf32> to vector<16xf32>
        %add3A_507 = arith.addf %scan3A_480, %get3A_506 : vector<16xf32>
        %scan3A_508 = arith.constant 1 : i32
        %scan3A_509 = arith.addi %scan3A_476, %scan3A_508 : i32
        %get3A_510 = arith.constant 7 : i32
        %get3A_511 = arith.index_cast %get3A_510 : i32 to index
        %get3A_512 = arith.index_cast %scan3A_509 : i32 to index
        %get3A_513 = arith.constant 0 : index
        %get3A_514 = tpu.vector_load %arg6[%get3A_511, %get3A_512, %get3A_513] {strides = array<i32>} : memref<8x100x64xf32, #tpu.memory_space<vmem>>, vector<1x1x16xf32>,
        %get3A_515 = vector.shape_cast %get3A_514 : vector<1x1x16xf32> to vector<16xf32>
        %add3A_516 = arith.addf %add3A_486, %get3A_515 : vector<16xf32>
        %get3A_517 = arith.constant 7 : i32
        %get3A_518 = arith.index_cast %get3A_517 : i32 to index
        %get3A_519 = arith.index_cast %scan3A_509 : i32 to index
        %get3A_520 = arith.constant 16 : index
        %get3A_521 = tpu.vector_load %arg6[%get3A_518, %get3A_519, %get3A_520] {strides = array<i32>} : memref<8x100x64xf32, #tpu.memory_space<vmem>>, vector<1x1x16xf32>,
        %get3A_522 = vector.shape_cast %get3A_521 : vector<1x1x16xf32> to vector<16xf32>
        %add3A_523 = arith.addf %add3A_493, %get3A_522 : vector<16xf32>
        %get3A_524 = arith.constant 7 : i32
        %get3A_525 = arith.index_cast %get3A_524 : i32 to index
        %get3A_526 = arith.index_cast %scan3A_509 : i32 to index
        %get3A_527 = arith.constant 32 : index
        %get3A_528 = tpu.vector_load %arg6[%get3A_525, %get3A_526, %get3A_527] {strides = array<i32>} : memref<8x100x64xf32, #tpu.memory_space<vmem>>, vector<1x1x16xf32>,
        %get3A_529 = vector.shape_cast %get3A_528 : vector<1x1x16xf32> to vector<16xf32>
        %add3A_530 = arith.addf %add3A_500, %get3A_529 : vector<16xf32>
        %get3A_531 = arith.constant 7 : i32
        %get3A_532 = arith.index_cast %get3A_531 : i32 to index
        %get3A_533 = arith.index_cast %scan3A_509 : i32 to index
        %get3A_534 = arith.constant 48 : index
        %get3A_535 = tpu.vector_load %arg6[%get3A_532, %get3A_533, %get3A_534] {strides = array<i32>} : memref<8x100x64xf32, #tpu.memory_space<vmem>>, vector<1x1x16xf32>,
        %get3A_536 = vector.shape_cast %get3A_535 : vector<1x1x16xf32> to vector<16xf32>
        %add3A_537 = arith.addf %add3A_507, %get3A_536 : vector<16xf32>
        scf.yield %add3A_516, %add3A_523, %add3A_530, %add3A_537 : vector<16xf32>, vector<16xf32>, vector<16xf32>, vector<16xf32>
      }
      %scan3A_439 = arith.constant 100 : i32
      %mul3A_440 = vector.broadcast %scan3A : f32 to vector<16xf32>
      %mul3A_441 = arith.mulf %scan3A_438#0, %mul3A_440 : vector<16xf32>
      %swap3A_442 = arith.index_cast %add3A_389 : i32 to index
      %swap3A_443 = arith.constant 0 : index
      %swap3A_444 = tpu.vector_load %arg7[%swap3A_442, %swap3A_443] {strides = array<i32>} : memref<128x64xf32, #tpu.memory_space<vmem>>, vector<1x16xf32>,
      %swap3A_445 = vector.shape_cast %swap3A_444 : vector<1x16xf32> to vector<16xf32>
      %swap3A_446 = vector.shape_cast %mul3A_441 : vector<16xf32> to vector<1x16xf32>
      tpu.vector_store %arg7[%swap3A_442, %swap3A_443], %swap3A_446 {strides = array<i32>} : memref<128x64xf32, #tpu.memory_space<vmem>>, vector<1x16xf32>,
      %mul3A_447 = vector.broadcast %scan3A : f32 to vector<16xf32>
      %mul3A_448 = arith.mulf %scan3A_438#1, %mul3A_447 : vector<16xf32>
      %swap3A_449 = arith.index_cast %add3A_389 : i32 to index
      %swap3A_450 = arith.constant 16 : index
      %swap3A_451 = tpu.vector_load %arg7[%swap3A_449, %swap3A_450] {strides = array<i32>} : memref<128x64xf32, #tpu.memory_space<vmem>>, vector<1x16xf32>,
      %swap3A_452 = vector.shape_cast %swap3A_451 : vector<1x16xf32> to vector<16xf32>
      %swap3A_453 = vector.shape_cast %mul3A_448 : vector<16xf32> to vector<1x16xf32>
      tpu.vector_store %arg7[%swap3A_449, %swap3A_450], %swap3A_453 {strides = array<i32>} : memref<128x64xf32, #tpu.memory_space<vmem>>, vector<1x16xf32>,
      %mul3A_454 = vector.broadcast %scan3A : f32 to vector<16xf32>
      %mul3A_455 = arith.mulf %scan3A_438#2, %mul3A_454 : vector<16xf32>
      %swap3A_456 = arith.index_cast %add3A_389 : i32 to index
      %swap3A_457 = arith.constant 32 : index
      %swap3A_458 = tpu.vector_load %arg7[%swap3A_456, %swap3A_457] {strides = array<i32>} : memref<128x64xf32, #tpu.memory_space<vmem>>, vector<1x16xf32>,
      %swap3A_459 = vector.shape_cast %swap3A_458 : vector<1x16xf32> to vector<16xf32>
      %swap3A_460 = vector.shape_cast %mul3A_455 : vector<16xf32> to vector<1x16xf32>
      tpu.vector_store %arg7[%swap3A_456, %swap3A_457], %swap3A_460 {strides = array<i32>} : memref<128x64xf32, #tpu.memory_space<vmem>>, vector<1x16xf32>,
      %mul3A_461 = vector.broadcast %scan3A : f32 to vector<16xf32>
      %mul3A_462 = arith.mulf %scan3A_438#3, %mul3A_461 : vector<16xf32>
      %swap3A_463 = arith.index_cast %add3A_389 : i32 to index
      %swap3A_464 = arith.constant 48 : index
      %swap3A_465 = tpu.vector_load %arg7[%swap3A_463, %swap3A_464] {strides = array<i32>} : memref<128x64xf32, #tpu.memory_space<vmem>>, vector<1x16xf32>,
      %swap3A_466 = vector.shape_cast %swap3A_465 : vector<1x16xf32> to vector<16xf32>
      %swap3A_467 = vector.shape_cast %mul3A_462 : vector<16xf32> to vector<1x16xf32>
      tpu.vector_store %arg7[%swap3A_463, %swap3A_464], %swap3A_467 {strides = array<i32>} : memref<128x64xf32, #tpu.memory_space<vmem>>, vector<1x16xf32>,
      %add3A_468 = arith.constant 4 : i32
      %add3A_469 = arith.addi %add3A_389, %add3A_468 : i32
      %lt3A_470 = arith.constant 128 : i32
      %lt3A_471 = arith.cmpi slt, %add3A_469, %lt3A_470 : i32
      %convert_element_type3A_472 = arith.extui %lt3A_471 : i1 to i32
      %cond3A_473 = arith.constant 0 : i32
      %cond3A_474 = arith.cmpi ne, %convert_element_type3A_472, %cond3A_473 : i32
      scf.if %cond3A_474 {
        %add3A_476 = arith.constant 4 : i32
        %add3A_477 = arith.addi %add3A_389, %add3A_476 : i32
        %mul3A_478 = arith.constant 2 : i32
        %mul3A_479 = arith.muli %add3A_477, %mul3A_478 : i32
        %add3A_480 = arith.constant 0 : i32
        %add3A_481 = arith.addi %mul3A_479, %add3A_480 : i32
        %dma_start3A_482 = arith.constant 6 : i32
        %dma_start3A_483 = arith.constant 6 : i32
        %dma_start3A_484 = arith.constant 0 : i32
        %dma_start3A_485 = arith.constant 0 : i32
        %dma_start3A_486 = tpu.memref_slice %arg6[%dma_start3A_482, %dma_start3A_484, %dma_start3A_485] : memref<8x100x64xf32, #tpu.memory_space<vmem>> -> memref<1x100x64xf32, #tpu.memory_space<vmem>>
        %dma_start3A_487 = tpu.memref_squeeze %dma_start3A_486 : memref<1x100x64xf32, #tpu.memory_space<vmem>> -> memref<100x64xf32, #tpu.memory_space<vmem>>
        %dma_start3A_488 = arith.constant 0 : i32
        %dma_start3A_489 = tpu.memref_slice %arg5[%add3A_481, %dma_start3A_488] : memref<256x100xi32, #tpu.memory_space<vmem>> -> memref<1x100xi32, #tpu.memory_space<vmem>>
        %dma_start3A_490 = tpu.memref_squeeze %dma_start3A_489 : memref<1x100xi32, #tpu.memory_space<vmem>> -> memref<100xi32, #tpu.memory_space<vmem>>
        %dma_start3A_491 = arith.constant 0 : i32
        %dma_start3A_492 = arith.constant 0 : i32
        %dma_start3A_493 = tpu.memref_slice %arg3[%dma_start3A_491, %dma_start3A_492] : memref<1000000x64xf32, #tpu.memory_space<hbm>> -> memref<1000000x64xf32, #tpu.memory_space<hbm>>
        %dma_start3A_494 = tpu.memref_slice %arg8[%dma_start3A_483] : memref<8x!tpu.dma_semaphore, #tpu.memory_space<semaphore_mem>> -> memref<1x!tpu.dma_semaphore, #tpu.memory_space<semaphore_mem>>
        %dma_start3A_495 = tpu.memref_squeeze %dma_start3A_494 : memref<1x!tpu.dma_semaphore, #tpu.memory_space<semaphore_mem>> -> memref<!tpu.dma_semaphore, #tpu.memory_space<semaphore_mem>>
        tpu.enqueue_indirect_dma source(%dma_start3A_493 : memref<1000000x64xf32, #tpu.memory_space<hbm>>) target(%dma_start3A_487 : memref<100x64xf32, #tpu.memory_space<vmem>>) offsets(%dma_start3A_490 : memref<100xi32, #tpu.memory_space<vmem>>) semaphore(%dma_start3A_495 : memref<!tpu.dma_semaphore, #tpu.memory_space<semaphore_mem>>)
        %mul3A_496 = arith.constant 2 : i32
        %mul3A_497 = arith.muli %add3A_477, %mul3A_496 : i32
        %add3A_498 = arith.constant 1 : i32
        %add3A_499 = arith.addi %mul3A_497, %add3A_498 : i32
        %dma_start3A_500 = arith.constant 7 : i32
        %dma_start3A_501 = arith.constant 7 : i32
        %dma_start3A_502 = arith.constant 0 : i32
        %dma_start3A_503 = arith.constant 0 : i32
        %dma_start3A_504 = tpu.memref_slice %arg6[%dma_start3A_500, %dma_start3A_502, %dma_start3A_503] : memref<8x100x64xf32, #tpu.memory_space<vmem>> -> memref<1x100x64xf32, #tpu.memory_space<vmem>>
        %dma_start3A_505 = tpu.memref_squeeze %dma_start3A_504 : memref<1x100x64xf32, #tpu.memory_space<vmem>> -> memref<100x64xf32, #tpu.memory_space<vmem>>
        %dma_start3A_506 = arith.constant 0 : i32
        %dma_start3A_507 = tpu.memref_slice %arg5[%add3A_499, %dma_start3A_506] : memref<256x100xi32, #tpu.memory_space<vmem>> -> memref<1x100xi32, #tpu.memory_space<vmem>>
        %dma_start3A_508 = tpu.memref_squeeze %dma_start3A_507 : memref<1x100xi32, #tpu.memory_space<vmem>> -> memref<100xi32, #tpu.memory_space<vmem>>
        %dma_start3A_509 = arith.constant 0 : i32
        %dma_start3A_510 = arith.constant 0 : i32
        %dma_start3A_511 = tpu.memref_slice %arg3[%dma_start3A_509, %dma_start3A_510] : memref<1000000x64xf32, #tpu.memory_space<hbm>> -> memref<1000000x64xf32, #tpu.memory_space<hbm>>
        %dma_start3A_512 = tpu.memref_slice %arg8[%dma_start3A_501] : memref<8x!tpu.dma_semaphore, #tpu.memory_space<semaphore_mem>> -> memref<1x!tpu.dma_semaphore, #tpu.memory_space<semaphore_mem>>
        %dma_start3A_513 = tpu.memref_squeeze %dma_start3A_512 : memref<1x!tpu.dma_semaphore, #tpu.memory_space<semaphore_mem>> -> memref<!tpu.dma_semaphore, #tpu.memory_space<semaphore_mem>>
        tpu.enqueue_indirect_dma source(%dma_start3A_511 : memref<1000000x64xf32, #tpu.memory_space<hbm>>) target(%dma_start3A_505 : memref<100x64xf32, #tpu.memory_space<vmem>>) offsets(%dma_start3A_508 : memref<100xi32, #tpu.memory_space<vmem>>) semaphore(%dma_start3A_513 : memref<!tpu.dma_semaphore, #tpu.memory_space<semaphore_mem>>)
      } else {
      }
      %scan3A_475 = arith.constant 0 : i32
      scf.yield %scan3A_475 : i32
    }
    %scan3A_126 = arith.constant 32 : i32
    %mul3A_127 = arith.constant 128 : i32
    %mul3A_128 = arith.muli %add3A, %mul3A_127 : i32
    "tpu.region"() ({
      %run_scoped3A = tpu.sem_alloc : memref<!tpu.dma_semaphore, #tpu.memory_space<semaphore_mem>>
      %dma_start3A_129 = arith.constant 0 : i32
      %dma_start3A_130 = tpu.memref_slice %arg4[%mul3A_128, %dma_start3A_129] : memref<4096x64xf32, #tpu.memory_space<hbm>> -> memref<128x64xf32, #tpu.memory_space<hbm>>
      %dma_start3A_131 = arith.constant 0 : i32
      %dma_start3A_132 = tpu.memref_slice %arg4[%mul3A_128, %dma_start3A_131] : memref<4096x64xf32, #tpu.memory_space<hbm>> -> memref<128x64xf32, #tpu.memory_space<hbm>>
      tpu.enqueue_dma source(%arg7 : memref<128x64xf32, #tpu.memory_space<vmem>>) target(%dma_start3A_132 : memref<128x64xf32, #tpu.memory_space<hbm>>) target_semaphore(%run_scoped3A : memref<!tpu.dma_semaphore, #tpu.memory_space<semaphore_mem>>)
      %dma_wait3A = arith.constant 0 : i32
      %dma_wait3A_133 = tpu.memref_slice %arg4[%mul3A_128, %dma_wait3A] : memref<4096x64xf32, #tpu.memory_space<hbm>> -> memref<128x64xf32, #tpu.memory_space<hbm>>
      %dma_wait3A_134 = arith.constant 0 : i32
      %dma_wait3A_135 = tpu.memref_slice %arg4[%mul3A_128, %dma_wait3A_134] : memref<4096x64xf32, #tpu.memory_space<hbm>> -> memref<128x64xf32, #tpu.memory_space<hbm>>
      tpu.wait_dma2 semaphore(%run_scoped3A : memref<!tpu.dma_semaphore, #tpu.memory_space<semaphore_mem>>) src(%arg7 : memref<128x64xf32, #tpu.memory_space<vmem>>) dst(%dma_wait3A_135 : memref<128x64xf32, #tpu.memory_space<hbm>>)
      tpu.yield
    }) : () -> ()
    return
  }
}

</mosaic_0001>

<sc_bundles>
// kernel: kernel.3.cloned.1.call-start
scs
__scs_entry_jumppad:
0x0: {  	(pc) =	sbr.rel $0x88, $3  }
0x1: {  	(tag) =	ssettag $0x0;
	lr =	simm.s32 $0x1  }
0x2: {  	[smem:$0x3F9F] =	sst lr;
	_ =	strace $0xD0000000  }
0x3: {  	_ = 	snop  }
0x4: {  	_ = 	snop  }
0x5: {  	_ = 	snop  }
0x6: {  	_ = 	snop  }
0x7: {  	_ = 	snop  }
__scs_overlays_trampoline_lowered:
0x8: {  	[smem:$0x3FAE] =	sst s0  }
0x9: {  	[smem:$0x3FAF] =	sst s1  }
0xa: {  	[smem:$0x3FB0] =	sst s2  }
0xb: {  	[smem:$0x3FB1] =	sst s3  }
0xc: {  	[smem:$0x3FB2] =	sst s4  }
0xd: {  	[smem:$0x3FB3] =	sst s5  }
0xe: {  	[smem:$0x3FB4] =	sst s6  }
0xf: {  	[smem:$0x3FB5] =	sst s7  }
0x10: {  	[smem:$0x3FB6] =	sst s8  }
0x11: {  	[smem:$0x3FB7] =	sst s9;
	s0 =	simm.s32 @!p0 $0x0  }
0x12: {  	s1 =	sld [smem:$0x3F9D];
	s0 =	simm.s32 @p0 $0x1  }
0x13: {  	[smem:$0x3FB8] =	sst s0;
	s0 =	simm.s32 @!p1 $0x0  }
0x14: {  	s2 =	sld [smem:$0x3F9C];
	s0 =	simm.s32 @p1 $0x1  }
0x15: {  	[smem:$0x3FB9] =	sst s0;
	s0 =	simm.s32 @!p2 $0x0  }
0x16: {  	s3 =	sld [smem:$0x3FDB];
	s0 =	simm.s32 @p2 $0x1  }
0x17: {  	s4 =	simm.s32 $0x1BF5;
	[smem:$0x3FBB] =	sst s0  }
0x18: {  	s0 =	sld [smem:$0x3F9E];
	_ =	swait.ge [sflag:s4], $0x0  }
0x19: {  	s7 =	sld [smem:$0x3F9F]  }
0x1a: {  	s8 =	sadd.s32 $0xFFFFE003, lr  }
0x1b: {  	s9 =	sadd.s32 $0xFFFFFEF7, lr;
	s5 =	simm.s32 $0xFFFFFFFF;
	p2 =	slt.u32 s8, $0xFFFFF086  }
0x1c: {  	p1 =	slt.u32 s9, $0xF7A;
	s5 =	simm.s32 @!p2 $0x0  }
0x1d: {  	s5 =	simm.s32 @p1 $0x1;
	p0 =	seq.s32 s7, s2  }
0x1e: {  	s7 =	smul.u32 @!p0 $0xF7A, s2;
	p2 =	seq.s32 @!p0 s5, $0x0  }
0x1f: {  	s9 =	smul.u32 $0xF7A, s1;
	s8 =	simm.s32 @!p0 $0x1BF5;
	p2 =	por !p2, p0  }
0x20: {  	[sflag:s8] =	ssyncset.s32 @!p0 $0xFFFFF086;
	s6 =	sadd.s32 @!p0 s3, s7;
	s7 =	simm.s32 @!p0 $0x108  }
0x21: {  	s3 =	sadd.s32 s3, s9;
	s6 =	sadd.s32 @!p0 $0x88, s6;
	s7 =	simm.s32 @p2 $0x1082  }
0x22: {  	[simem:s7], [sflag:s8] =	dma.local @!p0 [hbm:s6], $0xF7A  }
0x23: {  	s9 =	sor.u32 $0xD0000000, s2;
	s6 =	simm.s32 $0x108;
	_ =	swait.ge @!p0 [sflag:s8], $0x0  }
0x24: {  	s3 =	sadd.s32 $0x88, s3;
	s6 =	simm.s32 @!p1 $0x1082;
	[sflag:s4] =	ssyncset.s32 $0xFFFFF086  }
0x25: {  	[simem:s6], [sflag:s4] =	dma.local [hbm:s3], $0xF7A  }
0x26: {  	[smem:$0x3F9F] =	sst s1;
	(tag) =	ssettag s2;
	_ =	strace s9  }
0x27: {  	s1 =	sld [smem:$0x3FAF]  }
0x28: {  	s2 =	sld [smem:$0x3FB0]  }
0x29: {  	s4 =	sld [smem:$0x3FB2]  }
0x2a: {  	p0 =	seq.s32 s5, $0x0;
	s5 =	sld [smem:$0x3FB3]  }
0x2b: {  	s6 =	sld [smem:$0x3FB4]  }
0x2c: {  	s7 =	sld [smem:$0x3FB5]  }
0x2d: {  	s3 =	simm.s32 $0x108;
	s8 =	sld [smem:$0x3FB6]  }
0x2e: {  	s3 =	simm.s32 @!p0 $0x1082;
	s9 =	sld [smem:$0x3FB7]  }
0x2f: {  	lr =	sadd.s32 s0, s3;
	s0 =	sld [smem:$0x3FAE]  }
0x30: {  	s3 =	sld [smem:$0x3FB1]  }
0x31: {  	[smem:$0x3FBA] =	sst s10  }
0x32: {  	s10 =	sld [smem:$0x3FB8];
	_ =	sdelay $0x3  }
0x33: {  	p0 =	seq.s32 s10, $0x1;
	s10 =	sld [smem:$0x3FBA];
	_ =	sdelay $0x3  }
0x34: {  	[smem:$0x3FBA] =	sst s10  }
0x35: {  	s10 =	sld [smem:$0x3FB9];
	_ =	sdelay $0x3  }
0x36: {  	p1 =	seq.s32 s10, $0x1;
	s10 =	sld [smem:$0x3FBA];
	_ =	sdelay $0x3  }
0x37: {  	[smem:$0x3FBA] =	sst s10  }
0x38: {  	s10 =	sld [smem:$0x3FBB]  }
0x39: {  	_ = 	snop;
	(pc) =	sbr.ind lr, $3  }
0x3a: {  	_ = 	snop  }
0x3b: {  	_ = 	snop  }
0x3c: {  	p2 =	seq.s32 s10, $0x1;
	s10 =	sld [smem:$0x3FBA]  }
0x3d: {  	_ =	shalt  }
0x3e: {  	_ =	shalt  }
0x3f: {  	_ =	shalt  }
0x40: {  	_ =	shalt  }
0x41: {  	_ =	shalt  }
0x42: {  	_ =	shalt  }
0x43: {  	_ =	shalt  }
0x44: {  	_ =	shalt  }
0x45: {  	_ =	shalt  }
0x46: {  	_ =	shalt  }
0x47: {  	_ =	shalt  }
0x48: {  	_ =	shalt  }
0x49: {  	_ =	shalt  }
0x4a: {  	_ =	shalt  }
0x4b: {  	_ =	shalt  }
0x4c: {  	_ =	shalt  }
0x4d: {  	_ =	shalt  }
0x4e: {  	_ =	shalt  }
0x4f: {  	_ =	shalt  }
0x50: {  	_ =	shalt  }
0x51: {  	_ =	shalt  }
0x52: {  	_ =	shalt  }
0x53: {  	_ =	shalt  }
0x54: {  	_ =	shalt  }
0x55: {  	_ =	shalt  }
0x56: {  	_ =	shalt  }
0x57: {  	_ =	shalt  }
0x58: {  	_ =	shalt  }
0x59: {  	_ =	shalt  }
0x5a: {  	_ =	shalt  }
0x5b: {  	_ =	shalt  }
0x5c: {  	_ =	shalt  }
0x5d: {  	_ =	shalt  }
0x5e: {  	_ =	shalt  }
0x5f: {  	_ =	shalt  }
0x60: {  	_ =	shalt  }
0x61: {  	_ =	shalt  }
0x62: {  	_ =	shalt  }
0x63: {  	_ =	shalt  }
0x64: {  	_ =	shalt  }
0x65: {  	_ =	shalt  }
0x66: {  	_ =	shalt  }
0x67: {  	_ =	shalt  }
0x68: {  	_ =	shalt  }
0x69: {  	_ =	shalt  }
0x6a: {  	_ =	shalt  }
0x6b: {  	_ =	shalt  }
0x6c: {  	_ =	shalt  }
0x6d: {  	_ =	shalt  }
0x6e: {  	_ =	shalt  }
0x6f: {  	_ =	shalt  }
0x70: {  	_ =	shalt  }
0x71: {  	_ =	shalt  }
0x72: {  	_ =	shalt  }
0x73: {  	_ =	shalt  }
0x74: {  	_ =	shalt  }
0x75: {  	_ =	shalt  }
0x76: {  	_ =	shalt  }
0x77: {  	_ =	shalt  }
0x78: {  	_ =	shalt  }
0x79: {  	_ =	shalt  }
0x7a: {  	_ =	shalt  }
0x7b: {  	_ =	shalt  }
0x7c: {  	_ =	shalt  }
0x7d: {  	_ =	shalt  }
0x7e: {  	_ =	shalt  }
0x7f: {  	_ =	shalt  }
0x80: {  	_ =	shalt  }
0x81: {  	_ =	shalt  }
0x82: {  	_ =	shalt  }
0x83: {  	_ =	shalt  }
0x84: {  	_ =	shalt  }
0x85: {  	_ =	shalt  }
0x86: {  	_ =	shalt  }
0x87: {  	_ =	shalt  }
.Lfunc_end0:
.L_simem_size_0:
called_computation_lowered:
.L_overlay_start_0:
0x88: {  	s2 =	sld [smem:$0x3FD9]  }
0x89: {  	s3 =	sld [smem:$0x3FFE];
	_ =	sdelay $0x1  }
0x8a: {  	s1 =	srdreg.scid  }
0x8b: {  	s0 =	sand.u32 $0x1, s1  }
0x8c: {  	s17 =	sshll.u32 s0, $0xA;
	s2 =	sadd.s32 s3, s2  }
0x8d: {  	s2 =	sadd.s32 s2, s17  }
0x8e: {  	[smem:$0x3FC6] =	sst s2  }
0x8f: {  	_ = 	snop  }
0x90: {  	s2 =	sld [smem:$0x3FD0];
	(tm) =	ssettm $0x1  }
0x91: {  	s18 =	sld [smem:$0x3FFB];
	_ =	sdelay $0x3  }
0x92: {  	_ =	strace s18  }
0x93: {  	s3 =	sld [smem:$0x3FFC];
	_ =	sdelay $0x3  }
0x94: {  	_ =	strace s3  }
0x95: {  	s3 =	sld [smem:$0x3FFD];
	_ =	sdelay $0x3  }
0x96: {  	_ =	strace s3  }
0x97: {  	_ =	strace $0x8FFFFFFF  }
0x98: {  	s19 =	sld [smem:$0x3FDB];
	_ =	sdelay $0x1  }
0x99: {  	s4 =	simm.s32 $_scs_section_size  }
0x9a: {  	s5 =	simm.s32 $_size__tile_overlayer_lowered;
	s6 =	simm.s32 $_tile_overlayer_lowered  }
0x9b: {  	s22 =	simm.s32 $0x1BFF;
	s21 =	sshll.u32 s6, $0x1;
	s3 =	sadd.s32 s4, s19  }
0x9c: {  	s7 =	simm.s32 $0x0;
	s20 =	sshll.u32 s5, $0x1;
	s5 =	sadd.s32 s21, s3  }
0x9d: {  	[timem:s7], [sflag:s22] =	dma.local [hbm:s5], s20  }
0x9e: {  	_ =	swait.ge [sflag:s22], s20  }
0x9f: {  	s4 =	ssub.s32 $0x0, s20;
	[sflag:s22] =	ssyncset.done $0x0  }
0xa0: {  	[sflag:s22] =	ssyncadd.s32 s4;
	_ =	sdelay $0x1  }
0xa1: {  	s23 =	simm.s32 $0x1B8B  }
0xa2: {  	_ =	swait.ge [sflag:s23], $0x1  }
0xa3: {  	[sflag:s23] =	ssyncset.done $0x0  }
0xa4: {  	s25 =	simm.s32 $0x1B8E;
	s24 =	sld [smem:$0x3FFE];
	[sflag:s23] =	ssyncadd.s32 $0xFFFFFFFF  }
0xa5: {  	s26 =	simm.s32 $execute0_lowered;
	[smem:$0x3FD2] =	sst s25  }
0xa6: {  	s5 =	sshll.u32 s26, $0x1;
	_ =	strace $0x80000046;
	[dreg:$0x1] =	wrdreg $0xFFFFFFFF  }
0xa7: {  	s28 =	simm.s32 $_size_execute0_lowered;
	s3 =	sadd.s32 s3, s5;
	[dreg:$0x0] =	wrdreg $0x0  }
0xa8: {  	s5 =	sshll.u32 s28, $0x1;
	[dreg:$0x2] =	wrdreg s3  }
0xa9: {  	[dreg:$0x3] =	wrdreg s5  }
0xaa: {  	[dreg:$0x4] =	wrdreg $0xC0  }
0xab: {  	_ =	task [dreg:s7], $0x5FFFF  }
0xac: {  	[dreg:$0x1] =	wrdreg $0xFFFFFFFF  }
0xad: {  	[dreg:$0x0] =	wrdreg $0x60  }
0xae: {  	[dreg:$0x2] =	wrdreg s24  }
0xaf: {  	[dreg:$0x3] =	wrdreg s2  }
0xb0: {  	[dreg:$0x4] =	wrdreg $0x9  }
0xb1: {  	_ =	task.clear_ibuf [dreg:s7], $0x5FFFF;
	_ =	strace $0x90000046  }
0xb2: {  	s29 =	simm.s32 $0x9;
	_ =	strace $0x80000048  }
0xb3: {  	_ =	swait.ge [sflag:s29], $0x1  }
0xb4: {  	[sflag:s29] =	ssyncadd.s32 $0xFFFFFFFF  }
0xb5: {  	_ =	strace $0x90000048  }
0xb6: {  	_ =	sfence  }
0xb7: {  	s30 =	sld [smem:$0x0];
	_ =	sdelay $0x2  }
0xb8: {  	s31 =	sshll.u32 s1, $0xD;
	s1 =	sshrl.u32 s1, $0x2  }
0xb9: {  	s3 =	sand.u32 $0x4000, s31;
	s1 =	sadd.s32 s1, s30  }
0xba: {  	s0 =	sor.u32 s3, s0;
	s1 =	sshll.u32 s1, $0x11  }
0xbb: {  	s0 =	sor.u32 s1, s0  }
0xbc: {  	s0 =	sadd.s32 $0x8F2B, s0  }
0xbd: {  	[sflag:s0] =	ssyncadd.remote.s32 $0x1  }
0xbe: {  	_ =	sfence.sel $0xFFFF  }
0xbf: {  	[dreg:$0x0] =	wrdreg $0xFFFFFFFF;
	(pc) =	sbr.abs _section_cstart, $3  }
0xc0: {  	[dreg:$0x1] =	wrdreg $0xFFFFFFFF  }
0xc1: {  	_ =	task.clear_ibuf [dreg:s7], $0x2FFFF;
	_ =	strace $0x9FFFFFFF  }
0xc2: {  	(tm) =	ssettm $0x7FFFFFFF  }
0xc3: {  	_ =	shalt  }
tec
execute0_lowered:
.L_overlay_start_1:
0x0: {  	(tag) =	ssettag $0x1  }
0x1: {  	s0 =	srdreg.scid;
	s1 =	rddreg [dreg:$0x0]  }
0x2: {  	s2 =	stileid.u32;
	s5 =	rddreg [dreg:$0x1];
	s8 =	simm.s32 $0x64  }
0x3: {  	s16 =	simm.s32 $0x1A0;
	s17 =	simm.s32 $0xCC00;
	s18 =	simm.s32 $0x208  }
0x4: {  	s19 =	simm.s32 $0xE500;
	s20 =	simm.s32 $0x270;
	s21 =	simm.s32 $0xFE00  }
0x5: {  	s22 =	simm.s32 $0x2D8;
	s23 =	simm.s32 $0x11700;
	s24 =	simm.s32 $0x1  }
0x6: {  	s25 =	simm.s32 $0x2;
	s28 =	simm.s32 $0x4;
	s29 =	simm.s32 $0x5  }
0x7: {  	s30 =	simm.s32 $0x6;
	s0 =	sand.u32 $0x1, s0;
	s2 =	sshll.u32 s2, $0x1  }
0x8: {  	s31 =	simm.s32 $0x7;
	s9 =	simm.s32 $0x0;
	s4 =	sor.u32 s0, s2  }
0x9: {  	s2 =	simm.s32 $0x0;
	s0 =	ssub.s32 $0x2, s0;
	s3 =	smul.u32 $0xD00, s4  }
.Ltmp0:
0xa: {  	[smem:$0x7FF] =	sst s2;
	s7 =	sshrl.u32 s0, $0x1;
	(pc) =	sbr.rel .LBB2_1-.Ltmp0, $4  }
0xb: {  	s26 =	sshll.u32 s4, $0xA;
	_ =	strace $0x80000047;
	s0 =	ssub.s32 s0, s7  }
0xc: {  	s5 =	sadd.s32 s5, s26;
	s7 =	simm.s32 $0x9;
	s26 =	simm.s32 $0x3  }
0xd: {  	s6 =	sadd.s32 s3, s1;
	s3 =	sadd.s32 $0xF42A00, s1;
	s1 =	simm.s32 $0x8  }
0xe: {  	s4 =	sadd.s32 $0x600, s6;
	s6 =	smax.u32 s0, $0x1;
	s0 =	simm.s32 $0x13000  }
.LBB2_20:
0xf: {  	s9 =	sadd.s32 $0x1, s9  }
0x10: {  	p0 =	sne.s32 s9, s6  }
.Ltmp1:
0x11: {  	_ = 	snop;
	(pc) =	sbr.rel @!p0 .LBB2_21-.Ltmp1, $4  }
0x12: {  	[hbm4b:s5+s2] =	stream.linear.scatter [tilespmem:s0], [sflag:$0x9], $0x2000, $0x38;
	[tilespmem:$0x15000] =	vst v63  }
0x13: {  	_ =	swait.ge [sflag:s7], $0x2000  }
0x14: {  	[sflag:s7] =	ssyncset.done $0x0  }
0x15: {  	[sflag:s7] =	ssyncadd.s32 $0xFFFFE000  }
.LBB2_1:
0x16: {  	[tilespmem:s2], [sflag:$0x9] =	stream.linear.gather [hbm4b:s4+s2], $0x6800, $0x38;
	[tilespmem:$0x15000] =	vst v63  }
0x17: {  	_ =	swait.ge [sflag:s7], $0x6800  }
0x18: {  	[sflag:s7] =	ssyncset.done $0x0  }
0x19: {  	s10 =	simm.s32 $0x6800;
	[sflag:s7] =	ssyncadd.s32 $0xFFFF9800  }
0x1a: {  	[tilespmem:s10], [sflag:$0x1] =	stream.indirect.gather [hbm4b:s3+s8], $0x40, s2, s8, $0xb8;
	[tilespmem:$0x15000] =	vst v63  }
0x1b: {  	s15 =	simm.s32 $0x68;
	s11 =	simm.s32 $0x8100  }
0x1c: {  	[tilespmem:s11], [sflag:$0x2] =	stream.indirect.gather [hbm4b:s3+s8], $0x40, s15, s8, $0xb8;
	[tilespmem:$0x15000] =	vst v63  }
0x1d: {  	s12 =	simm.s32 $0xD0;
	s13 =	simm.s32 $0x9A00  }
0x1e: {  	[tilespmem:s13], [sflag:$0x3] =	stream.indirect.gather [hbm4b:s3+s8], $0x40, s12, s8, $0xb8;
	[tilespmem:$0x15000] =	vst v63  }
0x1f: {  	s14 =	simm.s32 $0x138;
	s15 =	simm.s32 $0xB300  }
0x20: {  	[tilespmem:s15], [sflag:$0x4] =	stream.indirect.gather [hbm4b:s3+s8], $0x40, s14, s8, $0xb8;
	[tilespmem:$0x15000] =	vst v63  }
0x21: {  	_ = 	snop  }
0x22: {  	[tilespmem:s17], [sflag:$0x5] =	stream.indirect.gather [hbm4b:s3+s8], $0x40, s16, s8, $0xb8;
	[tilespmem:$0x15000] =	vst v63  }
0x23: {  	_ = 	snop  }
0x24: {  	[tilespmem:s19], [sflag:$0x6] =	stream.indirect.gather [hbm4b:s3+s8], $0x40, s18, s8, $0xb8;
	[tilespmem:$0x15000] =	vst v63  }
0x25: {  	_ = 	snop  }
0x26: {  	[tilespmem:s21], [sflag:$0x7] =	stream.indirect.gather [hbm4b:s3+s8], $0x40, s20, s8, $0xb8;
	[tilespmem:$0x15000] =	vst v63  }
0x27: {  	s10 =	simm.s32 $0x0  }
0x28: {  	[tilespmem:s23], [sflag:$0x8] =	stream.indirect.gather [hbm4b:s3+s8], $0x40, s22, s8, $0xb8;
	[tilespmem:$0x15000] =	vst v63  }
.LBB2_2:
0x29: {  	_ =	swait.ge [sflag:s24], $0x1900  }
0x2a: {  	[sflag:s24] =	ssyncset.done $0x0  }
0x2b: {  	s12 =	simm.s32 $0x6840;
	[sflag:s24] =	ssyncadd.s32 $0xFFFFE700  }
0x2c: {  	v0 =	vld [tilespmem:s12+$0x0]  }
0x2d: {  	v3 =	vld [tilespmem:s12+$0x10]  }
0x2e: {  	v1 =	vld [tilespmem:s12+$0xFFFFFFC0]  }
0x2f: {  	v4 =	vld [tilespmem:s12+$0xFFFFFFD0]  }
0x30: {  	v5 =	vld [tilespmem:s12+$0xFFFFFFE0]  }
0x31: {  	v9 =	vld [tilespmem:s12+$0xFFFFFFF0]  }
0x32: {  	v12 =	vimm.f32 $0.0e+00;
	v2 =	vld [tilespmem:s12+$0x20]  }
0x33: {  	s11 =	simm.s32 $0x0;
	v15 =	vimm.f32 $0.0e+00;
	v13 =	vimm.f32 $0.0e+00;
	v14 =	vimm.f32 $0.0e+00;
	v6 =	vld [tilespmem:s12+$0x30];
	s12 =	simm.s32 $0x68C0  }
.LBB2_3:
0x34: {  	v7 =	vld [tilespmem:s12+$0x0]  }
0x35: {  	v10 =	vadd.f32 v1, v12;
	v11 =	vadd.f32 v4, v15;
	s11 =	sadd.s32 $0x2, s11;
	v8 =	vld [tilespmem:s12+$0x10]  }
0x36: {  	v13 =	vadd.f32 v5, v13;
	p0 =	slt.u32 s11, $0x62;
	v1 =	vld [tilespmem:s12+$0xFFFFFFC0];
	v9 =	vadd.f32 v9, v14  }
.Ltmp2:
0x37: {  	v12 =	vadd.f32 v0, v10;
	v15 =	vadd.f32 v3, v11;
	v4 =	vld [tilespmem:s12+$0xFFFFFFD0];
	(pc) =	sbr.rel @p0 .LBB2_3-.Ltmp2, $4  }
0x38: {  	v13 =	vadd.f32 v2, v13;
	v5 =	vld [tilespmem:s12+$0xFFFFFFE0];
	v14 =	vadd.f32 v6, v9  }
0x39: {  	v9 =	vld [tilespmem:s12+$0xFFFFFFF0];
	v0 =	vmov v7  }
0x3a: {  	v2 =	vld [tilespmem:s12+$0x20];
	v3 =	vmov v8  }
0x3b: {  	v6 =	vld [tilespmem:s12+$0x30];
	s12 =	sadd.s32 $0x80, s12  }
0x3c: {  	_ =	swait.ge [sflag:s25], $0x1900  }
0x3d: {  	[sflag:s25] =	ssyncset.done $0x0  }
0x3e: {  	s12 =	simm.s32 $0x8170;
	[sflag:s25] =	ssyncadd.s32 $0xFFFFE700  }
0x3f: {  	v8 =	vld [tilespmem:s12+$0xFFFFFFD0]  }
0x40: {  	v10 =	vld [tilespmem:s12+$0xFFFFFFE0]  }
0x41: {  	v7 =	vld [tilespmem:s12+$0xFFFFFF90]  }
0x42: {  	v11 =	vld [tilespmem:s12+$0xFFFFFFA0]  }
0x43: {  	v12 =	vadd.f32 v1, v12;
	v15 =	vadd.f32 v4, v15;
	v1 =	vld [tilespmem:s12+$0xFFFFFFB0]  }
0x44: {  	v13 =	vadd.f32 v5, v13;
	v14 =	vadd.f32 v9, v14;
	v4 =	vld [tilespmem:s12+$0xFFFFFFC0]  }
0x45: {  	v5 =	vadd.f32 v0, v12;
	v3 =	vadd.f32 v3, v15;
	v0 =	vld [tilespmem:s12+$0xFFFFFFF0]  }
0x46: {  	s11 =	simm.s32 $0x0;
	v9 =	vadd.f32 v2, v13;
	v2 =	vld [tilespmem:s12+$0x0];
	s12 =	simm.s32 $0x81F0;
	v6 =	vadd.f32 v6, v14  }
.LBB2_5:
0x47: {  	v12 =	vld [tilespmem:s12+$0xFFFFFFD0]  }
0x48: {  	v5 =	vadd.f32 v7, v5;
	v3 =	vadd.f32 v11, v3;
	s11 =	sadd.s32 $0x2, s11;
	v13 =	vld [tilespmem:s12+$0xFFFFFFE0]  }
0x49: {  	v9 =	vadd.f32 v1, v9;
	p0 =	slt.u32 s11, $0x62;
	v7 =	vld [tilespmem:s12+$0xFFFFFF90];
	v4 =	vadd.f32 v4, v6  }
.Ltmp3:
0x4a: {  	v5 =	vadd.f32 v8, v5;
	v3 =	vadd.f32 v10, v3;
	v11 =	vld [tilespmem:s12+$0xFFFFFFA0];
	(pc) =	sbr.rel @p0 .LBB2_5-.Ltmp3, $4  }
0x4b: {  	v9 =	vadd.f32 v0, v9;
	v1 =	vld [tilespmem:s12+$0xFFFFFFB0];
	v6 =	vadd.f32 v2, v4  }
0x4c: {  	v4 =	vld [tilespmem:s12+$0xFFFFFFC0];
	v8 =	vmov v12  }
0x4d: {  	v0 =	vld [tilespmem:s12+$0xFFFFFFF0];
	v10 =	vmov v13  }
0x4e: {  	v2 =	vld [tilespmem:s12+$0x0];
	s12 =	sadd.s32 $0x80, s12  }
0x4f: {  	v5 =	vadd.f32 v7, v5  }
0x50: {  	v3 =	vadd.f32 v11, v3  }
0x51: {  	v1 =	vadd.f32 v1, v9;
	v5 =	vadd.f32 v8, v5  }
0x52: {  	v4 =	vadd.f32 v4, v6;
	v3 =	vadd.f32 v10, v3  }
0x53: {  	s11 =	sshll.u32 s10, $0x8;
	v0 =	vadd.f32 v0, v1;
	v1 =	vmul.f32 $4.999999890e-03, v5  }
0x54: {  	p0 =	seq.s32 s10, $0x1F;
	s11 =	sand.u32 $0x3FFFFF00, s11;
	v2 =	vadd.f32 v2, v4;
	v3 =	vmul.f32 $4.999999890e-03, v3  }
0x55: {  	s12 =	smul.u32 @!p0 $0xD00, s10;
	v0 =	vmul.f32 $4.999999890e-03, v0;
	[tilespmem:s11+$0x13000] =	vst v1  }
0x56: {  	[tilespmem:s11+$0x13010] =	vst v3;
	v1 =	vmul.f32 $4.999999890e-03, v2  }
0x57: {  	s12 =	sshra.s32 @!p0 s12, $0x2;
	[tilespmem:s11+$0x13020] =	vst v0  }
0x58: {  	s14 =	simm.s32 @!p0 $0x64;
	s15 =	simm.s32 @!p0 $0x6800;
	s13 =	sadd.s32 @!p0 $0x340, s12;
	[tilespmem:s11+$0x13030] =	vst v1  }
0x59: {  	[tilespmem:s15], [sflag:$0x1] =	stream.indirect.gather @!p0 [hbm4b:s3+s14], $0x40, s13, s14, $0xb8;
	[tilespmem:$0x15000] =	vst v63  }
0x5a: {  	s13 =	sadd.s32 @!p0 $0x3A8, s12;
	s15 =	simm.s32 @!p0 $0x8100  }
0x5b: {  	[tilespmem:s15], [sflag:$0x2] =	stream.indirect.gather @!p0 [hbm4b:s3+s14], $0x40, s13, s14, $0xb8;
	[tilespmem:$0x15000] =	vst v63  }
0x5c: {  	_ =	swait.ge [sflag:s26], $0x1900  }
0x5d: {  	[sflag:s26] =	ssyncset.done $0x0  }
0x5e: {  	s15 =	simm.s32 $0x9A70;
	[sflag:s26] =	ssyncadd.s32 $0xFFFFE700  }
0x5f: {  	v0 =	vld [tilespmem:s15+$0xFFFFFFD0]  }
0x60: {  	v3 =	vld [tilespmem:s15+$0xFFFFFFE0]  }
0x61: {  	v1 =	vld [tilespmem:s15+$0xFFFFFF90]  }
0x62: {  	v4 =	vld [tilespmem:s15+$0xFFFFFFA0]  }
0x63: {  	v5 =	vld [tilespmem:s15+$0xFFFFFFB0]  }
0x64: {  	v9 =	vld [tilespmem:s15+$0xFFFFFFC0]  }
0x65: {  	v12 =	vimm.f32 $0.0e+00;
	v2 =	vld [tilespmem:s15+$0xFFFFFFF0]  }
0x66: {  	v15 =	vimm.f32 $0.0e+00;
	v13 =	vimm.f32 $0.0e+00;
	v14 =	vimm.f32 $0.0e+00;
	s13 =	simm.s32 $0x0;
	s14 =	simm.s32 $0x9AF0;
	v6 =	vld [tilespmem:s15+$0x0]  }
.LBB2_7:
0x67: {  	v7 =	vld [tilespmem:s14+$0xFFFFFFD0]  }
0x68: {  	v10 =	vadd.f32 v1, v12;
	v11 =	vadd.f32 v4, v15;
	s13 =	sadd.s32 $0x2, s13;
	v8 =	vld [tilespmem:s14+$0xFFFFFFE0]  }
0x69: {  	v13 =	vadd.f32 v5, v13;
	p1 =	slt.u32 s13, $0x62;
	v1 =	vld [tilespmem:s14+$0xFFFFFF90];
	v9 =	vadd.f32 v9, v14  }
.Ltmp4:
0x6a: {  	v12 =	vadd.f32 v0, v10;
	v15 =	vadd.f32 v3, v11;
	v4 =	vld [tilespmem:s14+$0xFFFFFFA0];
	(pc) =	sbr.rel @p1 .LBB2_7-.Ltmp4, $4  }
0x6b: {  	v13 =	vadd.f32 v2, v13;
	v5 =	vld [tilespmem:s14+$0xFFFFFFB0];
	v14 =	vadd.f32 v6, v9  }
0x6c: {  	v9 =	vld [tilespmem:s14+$0xFFFFFFC0];
	v0 =	vmov v7  }
0x6d: {  	v2 =	vld [tilespmem:s14+$0xFFFFFFF0];
	v3 =	vmov v8  }
0x6e: {  	v6 =	vld [tilespmem:s14+$0x0];
	s14 =	sadd.s32 $0x80, s14  }
0x6f: {  	_ =	swait.ge [sflag:s28], $0x1900  }
0x70: {  	[sflag:s28] =	ssyncset.done $0x0  }
0x71: {  	s14 =	simm.s32 $0xB300;
	[sflag:s28] =	ssyncadd.s32 $0xFFFFE700  }
0x72: {  	v8 =	vld [tilespmem:s14+$0x40]  }
0x73: {  	v10 =	vld [tilespmem:s14+$0x50]  }
0x74: {  	v7 =	vld [tilespmem:s14+$0x0]  }
0x75: {  	v11 =	vld [tilespmem:s14+$0x10]  }
0x76: {  	v12 =	vadd.f32 v1, v12;
	v15 =	vadd.f32 v4, v15;
	v1 =	vld [tilespmem:s14+$0x20]  }
0x77: {  	v13 =	vadd.f32 v5, v13;
	v14 =	vadd.f32 v9, v14;
	v4 =	vld [tilespmem:s14+$0x30]  }
0x78: {  	v5 =	vadd.f32 v0, v12;
	v3 =	vadd.f32 v3, v15;
	v0 =	vld [tilespmem:s14+$0x60]  }
0x79: {  	s13 =	simm.s32 $0x0;
	v9 =	vadd.f32 v2, v13;
	v2 =	vadd.f32 v6, v14;
	v6 =	vld [tilespmem:s14+$0x70];
	s14 =	simm.s32 $0xB380  }
.LBB2_9:
0x7a: {  	v12 =	vld [tilespmem:s14+$0x40]  }
0x7b: {  	v5 =	vadd.f32 v7, v5;
	v3 =	vadd.f32 v11, v3;
	s13 =	sadd.s32 $0x2, s13;
	v13 =	vld [tilespmem:s14+$0x50]  }
0x7c: {  	v9 =	vadd.f32 v1, v9;
	p1 =	slt.u32 s13, $0x62;
	v7 =	vld [tilespmem:s14+$0x0];
	v2 =	vadd.f32 v4, v2  }
.Ltmp5:
0x7d: {  	v5 =	vadd.f32 v8, v5;
	v3 =	vadd.f32 v10, v3;
	v11 =	vld [tilespmem:s14+$0x10];
	(pc) =	sbr.rel @p1 .LBB2_9-.Ltmp5, $4  }
0x7e: {  	v9 =	vadd.f32 v0, v9;
	v1 =	vld [tilespmem:s14+$0x20];
	v2 =	vadd.f32 v6, v2  }
0x7f: {  	v4 =	vld [tilespmem:s14+$0x30];
	v8 =	vmov v12  }
0x80: {  	v0 =	vld [tilespmem:s14+$0x60];
	v10 =	vmov v13  }
0x81: {  	v6 =	vld [tilespmem:s14+$0x70];
	s14 =	sadd.s32 $0x80, s14  }
0x82: {  	v5 =	vadd.f32 v7, v5  }
0x83: {  	v3 =	vadd.f32 v11, v3  }
0x84: {  	v1 =	vadd.f32 v1, v9;
	v5 =	vadd.f32 v8, v5  }
0x85: {  	v2 =	vadd.f32 v4, v2;
	v3 =	vadd.f32 v10, v3  }
0x86: {  	v0 =	vadd.f32 v0, v1;
	v1 =	vmul.f32 $4.999999890e-03, v5  }
0x87: {  	v2 =	vadd.f32 v6, v2;
	v3 =	vmul.f32 $4.999999890e-03, v3  }
0x88: {  	v0 =	vmul.f32 $4.999999890e-03, v0;
	[tilespmem:s11+$0x13040] =	vst v1  }
0x89: {  	[tilespmem:s11+$0x13050] =	vst v3;
	v1 =	vmul.f32 $4.999999890e-03, v2  }
0x8a: {  	[tilespmem:s11+$0x13060] =	vst v0  }
0x8b: {  	s13 =	sadd.s32 @!p0 $0x410, s12;
	s14 =	simm.s32 @!p0 $0x64;
	s15 =	simm.s32 @!p0 $0x9A00;
	[tilespmem:s11+$0x13070] =	vst v1  }
0x8c: {  	[tilespmem:s15], [sflag:$0x3] =	stream.indirect.gather @!p0 [hbm4b:s3+s14], $0x40, s13, s14, $0xb8;
	[tilespmem:$0x15000] =	vst v63  }
0x8d: {  	s13 =	sadd.s32 @!p0 $0x478, s12;
	s15 =	simm.s32 @!p0 $0xB300  }
0x8e: {  	[tilespmem:s15], [sflag:$0x4] =	stream.indirect.gather @!p0 [hbm4b:s3+s14], $0x40, s13, s14, $0xb8;
	[tilespmem:$0x15000] =	vst v63  }
0x8f: {  	_ =	swait.ge [sflag:s29], $0x1900  }
0x90: {  	[sflag:s29] =	ssyncset.done $0x0  }
0x91: {  	s15 =	simm.s32 $0xCC00;
	[sflag:s29] =	ssyncadd.s32 $0xFFFFE700  }
0x92: {  	v0 =	vld [tilespmem:s15+$0x40]  }
0x93: {  	v3 =	vld [tilespmem:s15+$0x50]  }
0x94: {  	v1 =	vld [tilespmem:s15+$0x0]  }
0x95: {  	v4 =	vld [tilespmem:s15+$0x10]  }
0x96: {  	v5 =	vld [tilespmem:s15+$0x20]  }
0x97: {  	v9 =	vld [tilespmem:s15+$0x30]  }
0x98: {  	v12 =	vimm.f32 $0.0e+00;
	v2 =	vld [tilespmem:s15+$0x60]  }
0x99: {  	v15 =	vimm.f32 $0.0e+00;
	v13 =	vimm.f32 $0.0e+00;
	v14 =	vimm.f32 $0.0e+00;
	s13 =	simm.s32 $0x0;
	s14 =	simm.s32 $0xCC80;
	v6 =	vld [tilespmem:s15+$0x70]  }
.LBB2_11:
0x9a: {  	v7 =	vld [tilespmem:s14+$0x40]  }
0x9b: {  	v10 =	vadd.f32 v1, v12;
	v11 =	vadd.f32 v4, v15;
	s13 =	sadd.s32 $0x2, s13;
	v8 =	vld [tilespmem:s14+$0x50]  }
0x9c: {  	v13 =	vadd.f32 v5, v13;
	p1 =	slt.u32 s13, $0x62;
	v1 =	vld [tilespmem:s14+$0x0];
	v9 =	vadd.f32 v9, v14  }
.Ltmp6:
0x9d: {  	v12 =	vadd.f32 v0, v10;
	v15 =	vadd.f32 v3, v11;
	v4 =	vld [tilespmem:s14+$0x10];
	(pc) =	sbr.rel @p1 .LBB2_11-.Ltmp6, $4  }
0x9e: {  	v13 =	vadd.f32 v2, v13;
	v5 =	vld [tilespmem:s14+$0x20];
	v14 =	vadd.f32 v6, v9  }
0x9f: {  	v9 =	vld [tilespmem:s14+$0x30];
	v0 =	vmov v7  }
0xa0: {  	v2 =	vld [tilespmem:s14+$0x60];
	v3 =	vmov v8  }
0xa1: {  	v6 =	vld [tilespmem:s14+$0x70];
	s14 =	sadd.s32 $0x80, s14  }
0xa2: {  	_ =	swait.ge [sflag:s30], $0x1900  }
0xa3: {  	[sflag:s30] =	ssyncset.done $0x0  }
0xa4: {  	s14 =	simm.s32 $0xE500;
	[sflag:s30] =	ssyncadd.s32 $0xFFFFE700  }
0xa5: {  	v8 =	vld [tilespmem:s14+$0x40]  }
0xa6: {  	v10 =	vld [tilespmem:s14+$0x50]  }
0xa7: {  	v7 =	vld [tilespmem:s14+$0x0]  }
0xa8: {  	v11 =	vld [tilespmem:s14+$0x10]  }
0xa9: {  	v12 =	vadd.f32 v1, v12;
	v15 =	vadd.f32 v4, v15;
	v1 =	vld [tilespmem:s14+$0x20]  }
0xaa: {  	v13 =	vadd.f32 v5, v13;
	v14 =	vadd.f32 v9, v14;
	v4 =	vld [tilespmem:s14+$0x30]  }
0xab: {  	v5 =	vadd.f32 v0, v12;
	v3 =	vadd.f32 v3, v15;
	v0 =	vld [tilespmem:s14+$0x60]  }
0xac: {  	s13 =	simm.s32 $0x0;
	v9 =	vadd.f32 v2, v13;
	v2 =	vadd.f32 v6, v14;
	v6 =	vld [tilespmem:s14+$0x70];
	s14 =	simm.s32 $0xE580  }
.LBB2_13:
0xad: {  	v12 =	vld [tilespmem:s14+$0x40]  }
0xae: {  	v5 =	vadd.f32 v7, v5;
	v3 =	vadd.f32 v11, v3;
	s13 =	sadd.s32 $0x2, s13;
	v13 =	vld [tilespmem:s14+$0x50]  }
0xaf: {  	v9 =	vadd.f32 v1, v9;
	p1 =	slt.u32 s13, $0x62;
	v7 =	vld [tilespmem:s14+$0x0];
	v2 =	vadd.f32 v4, v2  }
.Ltmp7:
0xb0: {  	v5 =	vadd.f32 v8, v5;
	v3 =	vadd.f32 v10, v3;
	v11 =	vld [tilespmem:s14+$0x10];
	(pc) =	sbr.rel @p1 .LBB2_13-.Ltmp7, $4  }
0xb1: {  	v9 =	vadd.f32 v0, v9;
	v1 =	vld [tilespmem:s14+$0x20];
	v2 =	vadd.f32 v6, v2  }
0xb2: {  	v4 =	vld [tilespmem:s14+$0x30];
	v8 =	vmov v12  }
0xb3: {  	v0 =	vld [tilespmem:s14+$0x60];
	v10 =	vmov v13  }
0xb4: {  	v6 =	vld [tilespmem:s14+$0x70];
	s14 =	sadd.s32 $0x80, s14  }
0xb5: {  	v5 =	vadd.f32 v7, v5  }
0xb6: {  	v3 =	vadd.f32 v11, v3  }
0xb7: {  	v1 =	vadd.f32 v1, v9;
	v5 =	vadd.f32 v8, v5  }
0xb8: {  	v2 =	vadd.f32 v4, v2;
	v3 =	vadd.f32 v10, v3  }
0xb9: {  	v0 =	vadd.f32 v0, v1;
	v1 =	vmul.f32 $4.999999890e-03, v5  }
0xba: {  	v2 =	vadd.f32 v6, v2;
	v3 =	vmul.f32 $4.999999890e-03, v3  }
0xbb: {  	v0 =	vmul.f32 $4.999999890e-03, v0;
	[tilespmem:s11+$0x13080] =	vst v1  }
0xbc: {  	[tilespmem:s11+$0x13090] =	vst v3;
	v1 =	vmul.f32 $4.999999890e-03, v2  }
0xbd: {  	[tilespmem:s11+$0x130A0] =	vst v0  }
0xbe: {  	s13 =	sadd.s32 @!p0 $0x4E0, s12;
	s14 =	simm.s32 @!p0 $0x64;
	s15 =	simm.s32 @!p0 $0xCC00;
	[tilespmem:s11+$0x130B0] =	vst v1  }
0xbf: {  	[tilespmem:s15], [sflag:$0x5] =	stream.indirect.gather @!p0 [hbm4b:s3+s14], $0x40, s13, s14, $0xb8;
	[tilespmem:$0x15000] =	vst v63  }
0xc0: {  	s12 =	sadd.s32 @!p0 $0x548, s12;
	s13 =	simm.s32 @!p0 $0xE500  }
0xc1: {  	[tilespmem:s13], [sflag:$0x6] =	stream.indirect.gather @!p0 [hbm4b:s3+s14], $0x40, s12, s14, $0xb8;
	[tilespmem:$0x15000] =	vst v63  }
0xc2: {  	_ =	swait.ge [sflag:s31], $0x1900  }
0xc3: {  	[sflag:s31] =	ssyncset.done $0x0  }
0xc4: {  	s15 =	simm.s32 $0xFE00;
	[sflag:s31] =	ssyncadd.s32 $0xFFFFE700  }
0xc5: {  	v0 =	vld [tilespmem:s15+$0x40]  }
0xc6: {  	v3 =	vld [tilespmem:s15+$0x50]  }
0xc7: {  	v1 =	vld [tilespmem:s15+$0x0]  }
0xc8: {  	v4 =	vld [tilespmem:s15+$0x10]  }
0xc9: {  	v5 =	vld [tilespmem:s15+$0x20]  }
0xca: {  	v9 =	vld [tilespmem:s15+$0x30]  }
0xcb: {  	v12 =	vimm.f32 $0.0e+00;
	v2 =	vld [tilespmem:s15+$0x60]  }
0xcc: {  	v15 =	vimm.f32 $0.0e+00;
	v13 =	vimm.f32 $0.0e+00;
	v14 =	vimm.f32 $0.0e+00;
	s12 =	simm.s32 $0x0;
	s13 =	simm.s32 $0xFE80;
	v6 =	vld [tilespmem:s15+$0x70]  }
.LBB2_15:
0xcd: {  	v7 =	vld [tilespmem:s13+$0x40]  }
0xce: {  	v10 =	vadd.f32 v1, v12;
	v11 =	vadd.f32 v4, v15;
	s12 =	sadd.s32 $0x2, s12;
	v8 =	vld [tilespmem:s13+$0x50]  }
0xcf: {  	v13 =	vadd.f32 v5, v13;
	p1 =	slt.u32 s12, $0x62;
	v1 =	vld [tilespmem:s13+$0x0];
	v9 =	vadd.f32 v9, v14  }
.Ltmp8:
0xd0: {  	v12 =	vadd.f32 v0, v10;
	v15 =	vadd.f32 v3, v11;
	v4 =	vld [tilespmem:s13+$0x10];
	(pc) =	sbr.rel @p1 .LBB2_15-.Ltmp8, $4  }
0xd1: {  	v13 =	vadd.f32 v2, v13;
	v5 =	vld [tilespmem:s13+$0x20];
	v14 =	vadd.f32 v6, v9  }
0xd2: {  	v9 =	vld [tilespmem:s13+$0x30];
	v0 =	vmov v7  }
0xd3: {  	v2 =	vld [tilespmem:s13+$0x60];
	v3 =	vmov v8  }
0xd4: {  	v6 =	vld [tilespmem:s13+$0x70];
	s13 =	sadd.s32 $0x80, s13  }
0xd5: {  	_ =	swait.ge [sflag:s1], $0x1900  }
0xd6: {  	[sflag:s1] =	ssyncset.done $0x0  }
0xd7: {  	s13 =	simm.s32 $0x11700;
	[sflag:s1] =	ssyncadd.s32 $0xFFFFE700  }
0xd8: {  	v8 =	vld [tilespmem:s13+$0x40]  }
0xd9: {  	v10 =	vld [tilespmem:s13+$0x50]  }
0xda: {  	v7 =	vld [tilespmem:s13+$0x0]  }
0xdb: {  	v11 =	vld [tilespmem:s13+$0x10]  }
0xdc: {  	v12 =	vadd.f32 v1, v12;
	v15 =	vadd.f32 v4, v15;
	v1 =	vld [tilespmem:s13+$0x20]  }
0xdd: {  	v13 =	vadd.f32 v5, v13;
	v14 =	vadd.f32 v9, v14;
	v4 =	vld [tilespmem:s13+$0x30]  }
0xde: {  	v5 =	vadd.f32 v0, v12;
	v3 =	vadd.f32 v3, v15;
	v0 =	vld [tilespmem:s13+$0x60]  }
0xdf: {  	s12 =	simm.s32 $0x0;
	v9 =	vadd.f32 v2, v13;
	v2 =	vadd.f32 v6, v14;
	v6 =	vld [tilespmem:s13+$0x70];
	s13 =	simm.s32 $0x11780  }
.LBB2_17:
0xe0: {  	v12 =	vld [tilespmem:s13+$0x40]  }
0xe1: {  	v5 =	vadd.f32 v7, v5;
	v3 =	vadd.f32 v11, v3;
	s12 =	sadd.s32 $0x2, s12;
	v13 =	vld [tilespmem:s13+$0x50]  }
0xe2: {  	v9 =	vadd.f32 v1, v9;
	p1 =	slt.u32 s12, $0x62;
	v7 =	vld [tilespmem:s13+$0x0];
	v2 =	vadd.f32 v4, v2  }
.Ltmp9:
0xe3: {  	v5 =	vadd.f32 v8, v5;
	v3 =	vadd.f32 v10, v3;
	v11 =	vld [tilespmem:s13+$0x10];
	(pc) =	sbr.rel @p1 .LBB2_17-.Ltmp9, $4  }
0xe4: {  	v9 =	vadd.f32 v0, v9;
	v1 =	vld [tilespmem:s13+$0x20];
	v2 =	vadd.f32 v6, v2  }
0xe5: {  	v4 =	vld [tilespmem:s13+$0x30];
	v8 =	vmov v12  }
0xe6: {  	v0 =	vld [tilespmem:s13+$0x60];
	v10 =	vmov v13  }
0xe7: {  	v6 =	vld [tilespmem:s13+$0x70];
	s13 =	sadd.s32 $0x80, s13  }
0xe8: {  	v5 =	vadd.f32 v7, v5  }
0xe9: {  	v3 =	vadd.f32 v11, v3  }
0xea: {  	v1 =	vadd.f32 v1, v9;
	v5 =	vadd.f32 v8, v5  }
0xeb: {  	v2 =	vadd.f32 v4, v2;
	v3 =	vadd.f32 v10, v3  }
0xec: {  	v0 =	vadd.f32 v0, v1;
	v62 =	vmul.f32 $4.999999890e-03, v5  }
.Ltmp10:
0xed: {  	v2 =	vadd.f32 v6, v2;
	v3 =	vmul.f32 $4.999999890e-03, v3;
	(pc) =	sbr.rel @p0 .LBB2_20-.Ltmp10, $4  }
0xee: {  	v0 =	vmul.f32 $4.999999890e-03, v0;
	[tilespmem:s11+$0x130C0] =	vst v62  }
0xef: {  	[tilespmem:s11+$0x130D0] =	vst v3;
	v63 =	vmul.f32 $4.999999890e-03, v2  }
0xf0: {  	[tilespmem:s11+$0x130E0] =	vst v0  }
0xf1: {  	[tilespmem:s11+$0x130F0] =	vst v63  }
0xf2: {  	s11 =	smul.u32 $0xD00, s10;
	_ =	sdelay $0x1  }
.Ltmp11:
0xf3: {  	s11 =	sshra.s32 s11, $0x2;
	(pc) =	sbr.rel .LBB2_2-.Ltmp11, $4  }
0xf4: {  	s12 =	sadd.s32 $0x5B0, s11  }
0xf5: {  	[tilespmem:s21], [sflag:$0x7] =	stream.indirect.gather [hbm4b:s3+s8], $0x40, s12, s8, $0xb8;
	[tilespmem:$0x15000] =	vst v63  }
0xf6: {  	s10 =	sadd.s32 $0x1, s10;
	s11 =	sadd.s32 $0x618, s11  }
0xf7: {  	[tilespmem:s23], [sflag:$0x8] =	stream.indirect.gather [hbm4b:s3+s8], $0x40, s11, s8, $0xb8;
	[tilespmem:$0x15000] =	vst v63  }
.LBB2_21:
0xf8: {  	_ =	sfence.sel $0x180000  }
0xf9: {  	[bflag:$0x0] =	sbarrier.arrive $0xFFFF  }
0xfa: {  	_ =	strace $0x90000047  }
0xfb: {  	s0 =	stileid.u32;
	[bflag:$0x2] =	sbarrier.arrive $0xFFFF  }
0xfc: {  	p0 =	sne.s32 s0, $0x0;
	s0 =	rddreg [dreg:$0x2]  }
0xfd: {  	s0 =	sadd.s32 @!p0 $0x100000, s0  }
0xfe: {  	[sflag:s0] =	ssyncadd.tile.s32 @!p0 $0x1;
	_ =	shalt  }
.Lfunc_end2:
_tile_overlayer_lowered:
.L_overlay_start_2:
0xff: {  	(tag) =	ssettag $0x2  }
0x100: {  	s0 =	rddreg [dreg:$0x0];
	s2 =	stileid.u32  }
0x101: {  	s1 =	rddreg [dreg:$0x1];
	p0 =	sne.s32 s2, $0x0  }
0x102: {  	s3 =	rddreg [dreg:$0x2];
	[bflag:$0x3] =	sbarrier.arrive $0xFFFF;
	s2 =	simm.s32 @!p0 $0x1C09  }
0x103: {  	[timem:s3], [sflag:s2] =	dma.local @!p0 [hbm:s0], s1  }
0x104: {  	s0 =	simm.s32 @!p0 $0x9  }
0x105: {  	_ =	swait.ge @!p0 [sflag:s0], s1  }
0x106: {  	s1 =	ssub.s32 @!p0 $0x0, s1;
	[sflag:s0] =	ssyncset.done @!p0 $0x0  }
0x107: {  	[sflag:s0] =	ssyncadd.s32 @!p0 s1  }
0x108: {  	[bflag:$0x3] =	sbarrier.arrive $0xFFFF  }
0x109: {  	_ =	shalt  }

</sc_bundles>
